<compile_context>
chip_gen: v7x
topology: tpu7x:2x2x1
jax: 0.10.2.dev20260603
libtpu: 0.0.44.dev20260713+nightly
codegen_flags: <defaults>
</compile_context>

<pallas_src>
import functools

import jax
import jax.numpy as jnp
from jax import lax
from jax.experimental import pallas as pl
from jax.experimental.pallas import tpu as pltpu
from jax.experimental.pallas import tpu_sc as plsc

N_NODE = 10000
WIDTH = 144
HID = 128
CHUNK = 128
CHUNKS_PER_TILE = 160
N_SUBCORES = 16
CHUNKS_STAGE = 8
EDGES_PER_TILE = CHUNK * CHUNKS_PER_TILE
E_PAD = EDGES_PER_TILE * N_SUBCORES
ROW_STEP = 624
ACC_ROWS = 10016


def _sc_body(table, src2, dst2, dis2, out, acc):
    pl.run_scoped(
        functools.partial(_sc_tile, table, src2, dst2, dis2, out, acc),
        pltpu.VMEM((CHUNKS_STAGE, CHUNK), jnp.int32),
        pltpu.VMEM((CHUNKS_STAGE, CHUNK), jnp.int32),
        pltpu.VMEM((CHUNKS_STAGE, CHUNK), jnp.float32),
        pltpu.VMEM((CHUNK, WIDTH), jnp.float32),
        pltpu.VMEM((CHUNK, WIDTH), jnp.float32),
        pltpu.SemaphoreType.DMA,
        pltpu.SemaphoreType.DMA,
        pltpu.SemaphoreType.DMA,
        pltpu.SemaphoreType.DMA,
        pltpu.SemaphoreType.DMA,
    )


def _sc_tile(table, src2, dst2, dis2, out, acc,
             src_v, dst_v, dis_v,
             rb0, rb1, sg0, sg1, ss0, ss1, si):
    rb = rb0
    c = lax.axis_index("c")
    s = lax.axis_index("s")
    gbase = c * (E_PAD // CHUNK) + s * CHUNKS_PER_TILE

    zero16 = jnp.zeros((16,), jnp.float32)

    def _zrow(r, carry):
        for k in range(WIDTH // 16):
            rb[r, pl.ds(k * 16, 16)] = zero16
        return carry

    lax.fori_loop(0, CHUNK, _zrow, 0)

    rbase = s * ROW_STEP
    zsems = (sg0, sg1, ss0, ss1, si)
    zd = [pltpu.async_copy(rb, acc.at[pl.ds(rbase + k * CHUNK, CHUNK)],
                           zsems[k]) for k in range(5)]
    for d in zd:
        d.wait()

    plsc.subcore_barrier()

    iota16 = lax.iota(jnp.int32, 16)
    col_dis = jnp.full((16,), 130, jnp.int32)

    rbs = (rb0, rb1)
    gsems = (sg0, sg1)
    ssems = (ss0, ss1)
    N_STAGES = CHUNKS_PER_TILE // CHUNKS_STAGE

    def _patch(buf, g, dis_v):
        for j in range(CHUNK // 16):
            rows = iota16 + (j * 16)
            dvals = dis_v[g, pl.ds(j * 16, 16)]
            plsc.store_scatter(buf, [rows, col_dis], dvals)

    def _hb(t):
        return pl.multiple_of(gbase + t * CHUNKS_STAGE, 8)

    def _wait_idx():
        hbase = pl.multiple_of(gbase, 8)
        pltpu.make_async_copy(src2.at[pl.ds(hbase, CHUNKS_STAGE)], src_v,
                              si).wait()
        pltpu.make_async_copy(dis2.at[pl.ds(hbase, CHUNKS_STAGE)], dis_v,
                              si).wait()
        pltpu.make_async_copy(dst2.at[pl.ds(hbase, CHUNKS_STAGE)], dst_v,
                              si).wait()

    def _stage(t, carry):
        tn = jnp.minimum(t + 1, N_STAGES - 1)
        _wait_idx()
        gd = [None, None]
        sd = [None, None]
        gd[0] = pltpu.async_copy(table.at[src_v.at[0]], rb0, sg0)
        for g in range(CHUNKS_STAGE):
            p = g & 1
            gd[p].wait()
            if g + 1 < CHUNKS_STAGE:
                if g >= 1:
                    sd[1 - p].wait()
                gd[1 - p] = pltpu.async_copy(
                    table.at[src_v.at[g + 1]], rbs[1 - p], gsems[1 - p])
                _patch(rbs[p], g, dis_v)
            else:
                _patch(rbs[p], g, dis_v)
                pltpu.async_copy(src2.at[pl.ds(_hb(tn), CHUNKS_STAGE)],
                                 src_v, si)
                pltpu.async_copy(dis2.at[pl.ds(_hb(tn), CHUNKS_STAGE)],
                                 dis_v, si)
            sd[p] = pltpu.async_copy(
                rbs[p], acc.at[dst_v.at[g]], ssems[p], add=True)
        sd[0].wait()
        sd[1].wait()
        pltpu.async_copy(dst2.at[pl.ds(_hb(tn), CHUNKS_STAGE)], dst_v, si)
        return carry

    pltpu.async_copy(src2.at[pl.ds(_hb(0), CHUNKS_STAGE)], src_v, si)
    pltpu.async_copy(dis2.at[pl.ds(_hb(0), CHUNKS_STAGE)], dis_v, si)
    pltpu.async_copy(dst2.at[pl.ds(_hb(0), CHUNKS_STAGE)], dst_v, si)

    lax.fori_loop(0, N_STAGES, _stage, 0)
    _wait_idx()

    plsc.subcore_barrier()

    dst_plane = out.at[c]
    od = [pltpu.async_copy(acc.at[pl.ds(rbase + k * CHUNK, CHUNK)],
                           dst_plane.at[pl.ds(rbase + k * CHUNK, CHUNK)],
                           zsems[k]) for k in range(5)]
    for d in od:
        d.wait()


@functools.cache
def _sc_aggregate():
    return pl.kernel(
        _sc_body,
        out_type=jax.ShapeDtypeStruct((2, N_NODE, WIDTH), jnp.float32),
        mesh=plsc.VectorSubcoreMesh(core_axis_name="c", subcore_axis_name="s",
                                    num_cores=2, num_subcores=N_SUBCORES),
        scratch_types=[
            pltpu.VMEM_SHARED((ACC_ROWS, WIDTH), jnp.float32),
        ],
        compiler_params=pltpu.CompilerParams(use_tc_tiling_on_sc=False,
                                             needs_layout_passes=False),
    )


def _tc_body(h_ref, ps_ref, xa_ref, xs_ref,
             Wu_u_ref, WA_u_ref, WB_u_ref, WD_u_ref, bu_ref,
             Wu_h_ref, WA_h_ref, WB_h_ref, WD_h_ref, bh_ref,
             Uh_ref, Usu_ref, Umh_ref, Upos_ref, bupd_ref, out_ref):
    f32 = jnp.float32
    ps = ps_ref[...]
    psx = ps[:, 0:1]
    psy = ps[:, 1:2]

    xa = xa_ref[...]
    sum_u = (jnp.dot(xa[:, :HID], Wu_u_ref[...], preferred_element_type=f32)
             + xa[:, 128:129] * WA_u_ref[0:1, :]
             + xa[:, 129:130] * WA_u_ref[1:2, :]
             + xa[:, 131:132] * (psx * WB_u_ref[0:1, :] + psy * WB_u_ref[1:2, :]
                                 + bu_ref[...])
             + xa[:, 130:131] * WD_u_ref[...])

    xs = xs_ref[...]
    deg_s = xs[:, 131:132]
    sum_h = (jnp.dot(xs[:, :HID], Wu_h_ref[...], preferred_element_type=f32)
             + xs[:, 128:129] * WA_h_ref[0:1, :]
             + xs[:, 129:130] * WA_h_ref[1:2, :]
             + deg_s * (psx * WB_h_ref[0:1, :] + psy * WB_h_ref[1:2, :]
                        + bh_ref[...])
             + xs[:, 130:131] * WD_h_ref[...])
    mean_h = jnp.where(deg_s > 0, sum_h / jnp.maximum(deg_s, 1.0), 0.0)

    out_ref[...] = (jnp.dot(h_ref[...], Uh_ref[...], preferred_element_type=f32)
                    + jnp.dot(sum_u, Usu_ref[...], preferred_element_type=f32)
                    + jnp.dot(mean_h, Umh_ref[...], preferred_element_type=f32)
                    + psx * Upos_ref[0:1, :] + psy * Upos_ref[1:2, :]
                    + bupd_ref[...])


_BLK = 1000


def _tc_update(h, ps, xa, xs, *weights):
    full = lambda shape: pl.BlockSpec(shape, lambda i: (0, 0))
    wspecs = [full(w.shape) for w in weights]
    return pl.pallas_call(
        _tc_body,
        grid=(N_NODE // _BLK,),
        in_specs=[
            pl.BlockSpec((_BLK, HID), lambda i: (i, 0)),
            pl.BlockSpec((_BLK, 2), lambda i: (i, 0)),
            pl.BlockSpec((_BLK, WIDTH), lambda i: (i, 0)),
            pl.BlockSpec((_BLK, WIDTH), lambda i: (i, 0)),
        ] + wspecs,
        out_specs=pl.BlockSpec((_BLK, HID), lambda i: (i, 0)),
        out_shape=jax.ShapeDtypeStruct((N_NODE, HID), jnp.float32),
    )(h, ps, xa, xs, *weights)


def _pad_edges(src, dst, dis):
    pad = E_PAD - src.shape[0]
    src = jnp.concatenate([src, jnp.zeros((pad,), jnp.int32)])
    dst = jnp.concatenate([dst, jnp.full((pad,), N_NODE, jnp.int32)])
    dis = jnp.concatenate([dis[:, 0], jnp.zeros((pad,), jnp.float32)])
    return src, dst, dis


@jax.jit
def kernel(h, u, pos_state, pos_action, a2s_edge_index, s2s_edge_index,
           a2s_dis, s2s_dis, W_u2h, b_u2h, W_h2h, b_h2h, W_upd, b_upd):
    cpad = jnp.concatenate([
        jnp.zeros((N_NODE, 1), jnp.float32),
        jnp.ones((N_NODE, 1), jnp.float32),
        jnp.zeros((N_NODE, WIDTH - HID - 4), jnp.float32),
    ], axis=1)
    table = jnp.concatenate([
        jnp.concatenate([u, pos_action, cpad], axis=1),
        jnp.concatenate([h, pos_state, cpad], axis=1),
    ], axis=0)

    sa, da, xa_dis = _pad_edges(a2s_edge_index[0], a2s_edge_index[1], a2s_dis)
    ss, ds, xs_dis = _pad_edges(s2s_edge_index[0], s2s_edge_index[1], s2s_dis)
    src2 = jnp.concatenate([sa, ss + N_NODE]).reshape(-1, CHUNK)
    dst2 = jnp.concatenate([da, ds]).reshape(-1, CHUNK)
    dis2 = jnp.concatenate([xa_dis, xs_dis]).reshape(-1, CHUNK)

    acc = _sc_aggregate()(table, src2, dst2, dis2)

    weights = (
        W_u2h[5:133], W_u2h[0:2], W_u2h[2:4], W_u2h[4:5], b_u2h[None, :],
        W_h2h[5:133], W_h2h[0:2], W_h2h[2:4], W_h2h[4:5], b_h2h[None, :],
        W_upd[0:128], W_upd[128:256], W_upd[256:384], W_upd[384:386],
        b_upd[None, :],
    )
    return _tc_update(h, pos_state, acc[0], acc[1], *weights)

# --- scband reference (transcript-rebuilt; emitter-appended) ---
"""Pipeline reference for scband-encoder-linear-79748952752448 (READ-ONLY COPY).

The authoritative reference and input builder live on the scoring server;
editing this copy changes nothing except your own understanding.
"""

import jax, jax.numpy as jnp
import numpy as np

N_S = 10000
N_A = 10000
E_A2S = 320000
E_S2S = 320000
U_DIM = 128
HID = 128


def setup_inputs(seed: int = 0) -> dict:
    key = jax.random.key(seed)
    ks = jax.random.split(key, 16)
    h = jax.random.normal(ks[0], (N_S, HID), dtype=jnp.float32)
    u = jax.random.normal(ks[1], (N_A, U_DIM), dtype=jnp.float32)
    pos_state = jax.random.normal(ks[2], (N_S, 2), dtype=jnp.float32)
    pos_action = jax.random.normal(ks[3], (N_A, 2), dtype=jnp.float32)
    a2s_edge_index = jnp.stack([
        jax.random.randint(ks[4], (E_A2S,), 0, N_A, dtype=jnp.int32),
        jax.random.randint(ks[5], (E_A2S,), 0, N_S, dtype=jnp.int32),
    ], axis=0)
    s2s_edge_index = jnp.stack([
        jax.random.randint(ks[6], (E_S2S,), 0, N_S, dtype=jnp.int32),
        jax.random.randint(ks[7], (E_S2S,), 0, N_S, dtype=jnp.int32),
    ], axis=0)
    a2s_dis = jax.random.normal(ks[8], (E_A2S, 1), dtype=jnp.float32)
    s2s_dis = jax.random.normal(ks[9], (E_S2S, 1), dtype=jnp.float32)
    # learned parameters (stored as [in, out]; y = x @ W + b)
    sc1 = 1.0 / np.sqrt(U_DIM + 5)
    sc2 = 1.0 / np.sqrt(HID + 5)
    sc3 = 1.0 / np.sqrt(3 * HID + 2)
    W_u2h = jax.random.uniform(ks[10], (U_DIM + 5, HID), dtype=jnp.float32, minval=-sc1, maxval=sc1)
    b_u2h = jax.random.uniform(ks[11], (HID,), dtype=jnp.float32, minval=-sc1, maxval=sc1)
    W_h2h = jax.random.uniform(ks[12], (HID + 5, HID), dtype=jnp.float32, minval=-sc2, maxval=sc2)
    b_h2h = jax.random.uniform(ks[13], (HID,), dtype=jnp.float32, minval=-sc2, maxval=sc2)
    W_upd = jax.random.uniform(ks[14], (3 * HID + 2, HID), dtype=jnp.float32, minval=-sc3, maxval=sc3)
    b_upd = jax.random.uniform(ks[15], (HID,), dtype=jnp.float32, minval=-sc3, maxval=sc3)
    return {
        "h": h, "u": u, "pos_state": pos_state, "pos_action": pos_action,
        "a2s_edge_index": a2s_edge_index, "s2s_edge_index": s2s_edge_index,
        "a2s_dis": a2s_dis, "s2s_dis": s2s_dis,
        "W_u2h": W_u2h, "b_u2h": b_u2h, "W_h2h": W_h2h, "b_h2h": b_h2h,
        "W_upd": W_upd, "b_upd": b_upd,
    }


def reference(h, u, pos_state, pos_action, a2s_edge_index, s2s_edge_index,
              a2s_dis, s2s_dis, W_u2h, b_u2h, W_h2h, b_h2h, W_upd, b_upd):
    n_state = h.shape[0]
    # a2s: u2h_msg = Linear([src_pos, dst_pos, dis, src_u]); aggregate with sum
    src_a = a2s_edge_index[0]
    dst_a = a2s_edge_index[1]
    inp_u = jnp.concatenate([pos_action[src_a], pos_state[dst_a], a2s_dis, u[src_a]], axis=-1)
    msg_u = inp_u @ W_u2h + b_u2h
    sum_u = jax.ops.segment_sum(msg_u, dst_a, num_segments=n_state)
    # s2s: h2h_msg = Linear([src_pos, dst_pos, dis, src_h]); aggregate with mean
    src_s = s2s_edge_index[0]
    dst_s = s2s_edge_index[1]
    inp_h = jnp.concatenate([pos_state[src_s], pos_state[dst_s], s2s_dis, h[src_s]], axis=-1)
    msg_h = inp_h @ W_h2h + b_h2h
    sum_h = jax.ops.segment_sum(msg_h, dst_s, num_segments=n_state)
    deg = jax.ops.segment_sum(jnp.ones_like(dst_s, dtype=jnp.float32), dst_s, num_segments=n_state)
    mean_h = jnp.where(deg[:, None] > 0, sum_h / jnp.maximum(deg, 1.0)[:, None], 0.0)
    # h_updater(Linear([h, sum_u, mean_h, pos]))
    inp_f = jnp.concatenate([h, sum_u, mean_h, pos_state], axis=-1)
    return inp_f @ W_upd + b_upd

if __name__ == "__main__":
    import jax
    _d = setup_inputs()
    print(jax.jit(kernel)(*tuple(_d.values())))

</pallas_src>

<mosaic_0001>
#map = affine_map<(d0, d1) -> (0, 0)>
#map1 = affine_map<(d0, d1) -> (0, 0, 0)>
module attributes {stable_mosaic.version = 14 : i64} {
  func.func @_sc_body(%arg0: i32, %arg1: i32, %arg2: memref<20000x144xf32, #tpu.memory_space<hbm>>, %arg3: memref<5120x128xi32, #tpu.memory_space<hbm>>, %arg4: memref<5120x128xi32, #tpu.memory_space<hbm>>, %arg5: memref<5120x128xf32, #tpu.memory_space<hbm>>, %arg6: memref<2x10000x144xf32, #tpu.memory_space<hbm>>, %arg7: memref<10016x144xf32, #tpu.memory_space<vmem_shared>>) attributes {dimension_semantics = [#tpu.dimension_semantics<core_parallel>, #tpu.dimension_semantics<subcore_parallel>], iteration_bounds = array<i64: 2, 16>, scalar_prefetch = 0 : i64, scratch_operands = 1 : i64, tpu.core_type = #tpu.core_type<sc_vector_subcore>, window_params = [{transform_indices = #map}, {transform_indices = #map}, {transform_indices = #map}, {transform_indices = #map}, {transform_indices = #map1}]} {
    "tpu.region"() ({
      %run_scoped3A = memref.alloca() : memref<8x128xi32, #tpu.memory_space<vmem>>
      %run_scoped3A_0 = memref.alloca() : memref<8x128xi32, #tpu.memory_space<vmem>>
      %run_scoped3A_1 = memref.alloca() : memref<8x128xf32, #tpu.memory_space<vmem>>
      %run_scoped3A_2 = memref.alloca() : memref<128x144xf32, #tpu.memory_space<vmem>>
      %run_scoped3A_3 = memref.alloca() : memref<128x144xf32, #tpu.memory_space<vmem>>
      %run_scoped3A_4 = tpu.sem_alloc : memref<!tpu.dma_semaphore, #tpu.memory_space<semaphore_mem>>
      %run_scoped3A_5 = tpu.sem_alloc : memref<!tpu.dma_semaphore, #tpu.memory_space<semaphore_mem>>
      %run_scoped3A_6 = tpu.sem_alloc : memref<!tpu.dma_semaphore, #tpu.memory_space<semaphore_mem>>
      %run_scoped3A_7 = tpu.sem_alloc : memref<!tpu.dma_semaphore, #tpu.memory_space<semaphore_mem>>
      %run_scoped3A_8 = tpu.sem_alloc : memref<!tpu.dma_semaphore, #tpu.memory_space<semaphore_mem>>
      %mul3A = arith.constant 2560 : i32
      %mul3A_9 = arith.muli %arg0, %mul3A : i32
      %mul3A_10 = arith.constant 160 : i32
      %mul3A_11 = arith.muli %arg1, %mul3A_10 : i32
      %add3A = arith.addi %mul3A_9, %mul3A_11 : i32
      %broadcast_in_dim3A = arith.constant 0.000000e+00 : f32
      %broadcast_in_dim3A_12 = vector.broadcast %broadcast_in_dim3A : f32 to vector<16xf32>
      %scan3A = arith.constant 0 : i32
      %scan3A_13 = arith.constant 0 : i32
      %scan3A_14 = arith.constant 128 : i32
      %scan3A_15 = arith.addi %scan3A_13, %scan3A_14 : i32
      %scan3A_16 = arith.constant 1 : i32
      scf.for %scan3A_210 = %scan3A_13 to %scan3A_15 step %scan3A_16  : i32 {
        %swap3A = arith.index_cast %scan3A_210 : i32 to index
        %swap3A_211 = arith.constant 0 : index
        %swap3A_212 = tpu.vector_load %run_scoped3A_2[%swap3A, %swap3A_211] {strides = array<i32>} : memref<128x144xf32, #tpu.memory_space<vmem>>, vector<16xf32>,
        tpu.vector_store %run_scoped3A_2[%swap3A, %swap3A_211], %broadcast_in_dim3A_12 {strides = array<i32>} : memref<128x144xf32, #tpu.memory_space<vmem>>, vector<16xf32>,
        %swap3A_213 = arith.index_cast %scan3A_210 : i32 to index
        %swap3A_214 = arith.constant 16 : index
        %swap3A_215 = tpu.vector_load %run_scoped3A_2[%swap3A_213, %swap3A_214] {strides = array<i32>} : memref<128x144xf32, #tpu.memory_space<vmem>>, vector<16xf32>,
        tpu.vector_store %run_scoped3A_2[%swap3A_213, %swap3A_214], %broadcast_in_dim3A_12 {strides = array<i32>} : memref<128x144xf32, #tpu.memory_space<vmem>>, vector<16xf32>,
        %swap3A_216 = arith.index_cast %scan3A_210 : i32 to index
        %swap3A_217 = arith.constant 32 : index
        %swap3A_218 = tpu.vector_load %run_scoped3A_2[%swap3A_216, %swap3A_217] {strides = array<i32>} : memref<128x144xf32, #tpu.memory_space<vmem>>, vector<16xf32>,
        tpu.vector_store %run_scoped3A_2[%swap3A_216, %swap3A_217], %broadcast_in_dim3A_12 {strides = array<i32>} : memref<128x144xf32, #tpu.memory_space<vmem>>, vector<16xf32>,
        %swap3A_219 = arith.index_cast %scan3A_210 : i32 to index
        %swap3A_220 = arith.constant 48 : index
        %swap3A_221 = tpu.vector_load %run_scoped3A_2[%swap3A_219, %swap3A_220] {strides = array<i32>} : memref<128x144xf32, #tpu.memory_space<vmem>>, vector<16xf32>,
        tpu.vector_store %run_scoped3A_2[%swap3A_219, %swap3A_220], %broadcast_in_dim3A_12 {strides = array<i32>} : memref<128x144xf32, #tpu.memory_space<vmem>>, vector<16xf32>,
        %swap3A_222 = arith.index_cast %scan3A_210 : i32 to index
        %swap3A_223 = arith.constant 64 : index
        %swap3A_224 = tpu.vector_load %run_scoped3A_2[%swap3A_222, %swap3A_223] {strides = array<i32>} : memref<128x144xf32, #tpu.memory_space<vmem>>, vector<16xf32>,
        tpu.vector_store %run_scoped3A_2[%swap3A_222, %swap3A_223], %broadcast_in_dim3A_12 {strides = array<i32>} : memref<128x144xf32, #tpu.memory_space<vmem>>, vector<16xf32>,
        %swap3A_225 = arith.index_cast %scan3A_210 : i32 to index
        %swap3A_226 = arith.constant 80 : index
        %swap3A_227 = tpu.vector_load %run_scoped3A_2[%swap3A_225, %swap3A_226] {strides = array<i32>} : memref<128x144xf32, #tpu.memory_space<vmem>>, vector<16xf32>,
        tpu.vector_store %run_scoped3A_2[%swap3A_225, %swap3A_226], %broadcast_in_dim3A_12 {strides = array<i32>} : memref<128x144xf32, #tpu.memory_space<vmem>>, vector<16xf32>,
        %swap3A_228 = arith.index_cast %scan3A_210 : i32 to index
        %swap3A_229 = arith.constant 96 : index
        %swap3A_230 = tpu.vector_load %run_scoped3A_2[%swap3A_228, %swap3A_229] {strides = array<i32>} : memref<128x144xf32, #tpu.memory_space<vmem>>, vector<16xf32>,
        tpu.vector_store %run_scoped3A_2[%swap3A_228, %swap3A_229], %broadcast_in_dim3A_12 {strides = array<i32>} : memref<128x144xf32, #tpu.memory_space<vmem>>, vector<16xf32>,
        %swap3A_231 = arith.index_cast %scan3A_210 : i32 to index
        %swap3A_232 = arith.constant 112 : index
        %swap3A_233 = tpu.vector_load %run_scoped3A_2[%swap3A_231, %swap3A_232] {strides = array<i32>} : memref<128x144xf32, #tpu.memory_space<vmem>>, vector<16xf32>,
        tpu.vector_store %run_scoped3A_2[%swap3A_231, %swap3A_232], %broadcast_in_dim3A_12 {strides = array<i32>} : memref<128x144xf32, #tpu.memory_space<vmem>>, vector<16xf32>,
        %swap3A_234 = arith.index_cast %scan3A_210 : i32 to index
        %swap3A_235 = arith.constant 128 : index
        %swap3A_236 = tpu.vector_load %run_scoped3A_2[%swap3A_234, %swap3A_235] {strides = array<i32>} : memref<128x144xf32, #tpu.memory_space<vmem>>, vector<16xf32>,
        tpu.vector_store %run_scoped3A_2[%swap3A_234, %swap3A_235], %broadcast_in_dim3A_12 {strides = array<i32>} : memref<128x144xf32, #tpu.memory_space<vmem>>, vector<16xf32>,
      }
      %scan3A_17 = arith.constant 128 : i32
      %mul3A_18 = arith.constant 624 : i32
      %mul3A_19 = arith.muli %arg1, %mul3A_18 : i32
      %add3A_20 = arith.constant 0 : i32
      %add3A_21 = arith.addi %mul3A_19, %add3A_20 : i32
      %dma_start3A = arith.constant 0 : i32
      %dma_start3A_22 = tpu.memref_slice %arg7[%add3A_21, %dma_start3A] : memref<10016x144xf32, #tpu.memory_space<vmem_shared>> -> memref<128x144xf32, #tpu.memory_space<vmem_shared>>
      %dma_start3A_23 = arith.constant 0 : i32
      %dma_start3A_24 = tpu.memref_slice %arg7[%add3A_21, %dma_start3A_23] : memref<10016x144xf32, #tpu.memory_space<vmem_shared>> -> memref<128x144xf32, #tpu.memory_space<vmem_shared>>
      tpu.enqueue_dma source(%run_scoped3A_2 : memref<128x144xf32, #tpu.memory_space<vmem>>) target(%dma_start3A_24 : memref<128x144xf32, #tpu.memory_space<vmem_shared>>) target_semaphore(%run_scoped3A_4 : memref<!tpu.dma_semaphore, #tpu.memory_space<semaphore_mem>>)
      %add3A_25 = arith.constant 128 : i32
      %add3A_26 = arith.addi %mul3A_19, %add3A_25 : i32
      %dma_start3A_27 = arith.constant 0 : i32
      %dma_start3A_28 = tpu.memref_slice %arg7[%add3A_26, %dma_start3A_27] : memref<10016x144xf32, #tpu.memory_space<vmem_shared>> -> memref<128x144xf32, #tpu.memory_space<vmem_shared>>
      %dma_start3A_29 = arith.constant 0 : i32
      %dma_start3A_30 = tpu.memref_slice %arg7[%add3A_26, %dma_start3A_29] : memref<10016x144xf32, #tpu.memory_space<vmem_shared>> -> memref<128x144xf32, #tpu.memory_space<vmem_shared>>
      tpu.enqueue_dma source(%run_scoped3A_2 : memref<128x144xf32, #tpu.memory_space<vmem>>) target(%dma_start3A_30 : memref<128x144xf32, #tpu.memory_space<vmem_shared>>) target_semaphore(%run_scoped3A_5 : memref<!tpu.dma_semaphore, #tpu.memory_space<semaphore_mem>>)
      %add3A_31 = arith.constant 256 : i32
      %add3A_32 = arith.addi %mul3A_19, %add3A_31 : i32
      %dma_start3A_33 = arith.constant 0 : i32
      %dma_start3A_34 = tpu.memref_slice %arg7[%add3A_32, %dma_start3A_33] : memref<10016x144xf32, #tpu.memory_space<vmem_shared>> -> memref<128x144xf32, #tpu.memory_space<vmem_shared>>
      %dma_start3A_35 = arith.constant 0 : i32
      %dma_start3A_36 = tpu.memref_slice %arg7[%add3A_32, %dma_start3A_35] : memref<10016x144xf32, #tpu.memory_space<vmem_shared>> -> memref<128x144xf32, #tpu.memory_space<vmem_shared>>
      tpu.enqueue_dma source(%run_scoped3A_2 : memref<128x144xf32, #tpu.memory_space<vmem>>) target(%dma_start3A_36 : memref<128x144xf32, #tpu.memory_space<vmem_shared>>) target_semaphore(%run_scoped3A_6 : memref<!tpu.dma_semaphore, #tpu.memory_space<semaphore_mem>>)
      %add3A_37 = arith.constant 384 : i32
      %add3A_38 = arith.addi %mul3A_19, %add3A_37 : i32
      %dma_start3A_39 = arith.constant 0 : i32
      %dma_start3A_40 = tpu.memref_slice %arg7[%add3A_38, %dma_start3A_39] : memref<10016x144xf32, #tpu.memory_space<vmem_shared>> -> memref<128x144xf32, #tpu.memory_space<vmem_shared>>
      %dma_start3A_41 = arith.constant 0 : i32
      %dma_start3A_42 = tpu.memref_slice %arg7[%add3A_38, %dma_start3A_41] : memref<10016x144xf32, #tpu.memory_space<vmem_shared>> -> memref<128x144xf32, #tpu.memory_space<vmem_shared>>
      tpu.enqueue_dma source(%run_scoped3A_2 : memref<128x144xf32, #tpu.memory_space<vmem>>) target(%dma_start3A_42 : memref<128x144xf32, #tpu.memory_space<vmem_shared>>) target_semaphore(%run_scoped3A_7 : memref<!tpu.dma_semaphore, #tpu.memory_space<semaphore_mem>>)
      %add3A_43 = arith.constant 512 : i32
      %add3A_44 = arith.addi %mul3A_19, %add3A_43 : i32
      %dma_start3A_45 = arith.constant 0 : i32
      %dma_start3A_46 = tpu.memref_slice %arg7[%add3A_44, %dma_start3A_45] : memref<10016x144xf32, #tpu.memory_space<vmem_shared>> -> memref<128x144xf32, #tpu.memory_space<vmem_shared>>
      %dma_start3A_47 = arith.constant 0 : i32
      %dma_start3A_48 = tpu.memref_slice %arg7[%add3A_44, %dma_start3A_47] : memref<10016x144xf32, #tpu.memory_space<vmem_shared>> -> memref<128x144xf32, #tpu.memory_space<vmem_shared>>
      tpu.enqueue_dma source(%run_scoped3A_2 : memref<128x144xf32, #tpu.memory_space<vmem>>) target(%dma_start3A_48 : memref<128x144xf32, #tpu.memory_space<vmem_shared>>) target_semaphore(%run_scoped3A_8 : memref<!tpu.dma_semaphore, #tpu.memory_space<semaphore_mem>>)
      %dma_wait3A = arith.constant 0 : i32
      %dma_wait3A_49 = tpu.memref_slice %arg7[%add3A_21, %dma_wait3A] : memref<10016x144xf32, #tpu.memory_space<vmem_shared>> -> memref<128x144xf32, #tpu.memory_space<vmem_shared>>
      %dma_wait3A_50 = arith.constant 0 : i32
      %dma_wait3A_51 = tpu.memref_slice %arg7[%add3A_21, %dma_wait3A_50] : memref<10016x144xf32, #tpu.memory_space<vmem_shared>> -> memref<128x144xf32, #tpu.memory_space<vmem_shared>>
      tpu.wait_dma2 semaphore(%run_scoped3A_4 : memref<!tpu.dma_semaphore, #tpu.memory_space<semaphore_mem>>) src(%run_scoped3A_2 : memref<128x144xf32, #tpu.memory_space<vmem>>) dst(%dma_wait3A_51 : memref<128x144xf32, #tpu.memory_space<vmem_shared>>)
      %dma_wait3A_52 = arith.constant 0 : i32
      %dma_wait3A_53 = tpu.memref_slice %arg7[%add3A_26, %dma_wait3A_52] : memref<10016x144xf32, #tpu.memory_space<vmem_shared>> -> memref<128x144xf32, #tpu.memory_space<vmem_shared>>
      %dma_wait3A_54 = arith.constant 0 : i32
      %dma_wait3A_55 = tpu.memref_slice %arg7[%add3A_26, %dma_wait3A_54] : memref<10016x144xf32, #tpu.memory_space<vmem_shared>> -> memref<128x144xf32, #tpu.memory_space<vmem_shared>>
      tpu.wait_dma2 semaphore(%run_scoped3A_5 : memref<!tpu.dma_semaphore, #tpu.memory_space<semaphore_mem>>) src(%run_scoped3A_2 : memref<128x144xf32, #tpu.memory_space<vmem>>) dst(%dma_wait3A_55 : memref<128x144xf32, #tpu.memory_space<vmem_shared>>)
      %dma_wait3A_56 = arith.constant 0 : i32
      %dma_wait3A_57 = tpu.memref_slice %arg7[%add3A_32, %dma_wait3A_56] : memref<10016x144xf32, #tpu.memory_space<vmem_shared>> -> memref<128x144xf32, #tpu.memory_space<vmem_shared>>
      %dma_wait3A_58 = arith.constant 0 : i32
      %dma_wait3A_59 = tpu.memref_slice %arg7[%add3A_32, %dma_wait3A_58] : memref<10016x144xf32, #tpu.memory_space<vmem_shared>> -> memref<128x144xf32, #tpu.memory_space<vmem_shared>>
      tpu.wait_dma2 semaphore(%run_scoped3A_6 : memref<!tpu.dma_semaphore, #tpu.memory_space<semaphore_mem>>) src(%run_scoped3A_2 : memref<128x144xf32, #tpu.memory_space<vmem>>) dst(%dma_wait3A_59 : memref<128x144xf32, #tpu.memory_space<vmem_shared>>)
      %dma_wait3A_60 = arith.constant 0 : i32
      %dma_wait3A_61 = tpu.memref_slice %arg7[%add3A_38, %dma_wait3A_60] : memref<10016x144xf32, #tpu.memory_space<vmem_shared>> -> memref<128x144xf32, #tpu.memory_space<vmem_shared>>
      %dma_wait3A_62 = arith.constant 0 : i32
      %dma_wait3A_63 = tpu.memref_slice %arg7[%add3A_38, %dma_wait3A_62] : memref<10016x144xf32, #tpu.memory_space<vmem_shared>> -> memref<128x144xf32, #tpu.memory_space<vmem_shared>>
      tpu.wait_dma2 semaphore(%run_scoped3A_7 : memref<!tpu.dma_semaphore, #tpu.memory_space<semaphore_mem>>) src(%run_scoped3A_2 : memref<128x144xf32, #tpu.memory_space<vmem>>) dst(%dma_wait3A_63 : memref<128x144xf32, #tpu.memory_space<vmem_shared>>)
      %dma_wait3A_64 = arith.constant 0 : i32
      %dma_wait3A_65 = tpu.memref_slice %arg7[%add3A_44, %dma_wait3A_64] : memref<10016x144xf32, #tpu.memory_space<vmem_shared>> -> memref<128x144xf32, #tpu.memory_space<vmem_shared>>
      %dma_wait3A_66 = arith.constant 0 : i32
      %dma_wait3A_67 = tpu.memref_slice %arg7[%add3A_44, %dma_wait3A_66] : memref<10016x144xf32, #tpu.memory_space<vmem_shared>> -> memref<128x144xf32, #tpu.memory_space<vmem_shared>>
      tpu.wait_dma2 semaphore(%run_scoped3A_8 : memref<!tpu.dma_semaphore, #tpu.memory_space<semaphore_mem>>) src(%run_scoped3A_2 : memref<128x144xf32, #tpu.memory_space<vmem>>) dst(%dma_wait3A_67 : memref<128x144xf32, #tpu.memory_space<vmem_shared>>)
      %barrier3A = arith.constant 0 : index
      tpu.barrier barrier_id(%barrier3A)
      %iota3A = tpu.iota {dimensions = array<i32: 0>} : vector<16xi32>
      %broadcast_in_dim3A_68 = arith.constant 130 : i32
      %broadcast_in_dim3A_69 = vector.broadcast %broadcast_in_dim3A_68 : i32 to vector<16xi32>
      %add3A_70 = arith.constant 0 : i32
      %add3A_71 = arith.addi %add3A, %add3A_70 : i32
      %multiple_of3A = tpu.assume_multiple %add3A_71, 8 : i32
      %dma_start3A_72 = arith.constant 0 : i32
      %dma_start3A_73 = tpu.memref_slice %arg3[%multiple_of3A, %dma_start3A_72] : memref<5120x128xi32, #tpu.memory_space<hbm>> -> memref<8x128xi32, #tpu.memory_space<hbm>>
      %dma_start3A_74 = arith.constant 0 : i32
      %dma_start3A_75 = tpu.memref_slice %arg3[%multiple_of3A, %dma_start3A_74] : memref<5120x128xi32, #tpu.memory_space<hbm>> -> memref<8x128xi32, #tpu.memory_space<hbm>>
      tpu.enqueue_dma source(%dma_start3A_75 : memref<8x128xi32, #tpu.memory_space<hbm>>) target(%run_scoped3A : memref<8x128xi32, #tpu.memory_space<vmem>>) target_semaphore(%run_scoped3A_8 : memref<!tpu.dma_semaphore, #tpu.memory_space<semaphore_mem>>)
      %add3A_76 = arith.constant 0 : i32
      %add3A_77 = arith.addi %add3A, %add3A_76 : i32
      %multiple_of3A_78 = tpu.assume_multiple %add3A_77, 8 : i32
      %dma_start3A_79 = arith.constant 0 : i32
      %dma_start3A_80 = tpu.memref_slice %arg5[%multiple_of3A_78, %dma_start3A_79] : memref<5120x128xf32, #tpu.memory_space<hbm>> -> memref<8x128xf32, #tpu.memory_space<hbm>>
      %dma_start3A_81 = arith.constant 0 : i32
      %dma_start3A_82 = tpu.memref_slice %arg5[%multiple_of3A_78, %dma_start3A_81] : memref<5120x128xf32, #tpu.memory_space<hbm>> -> memref<8x128xf32, #tpu.memory_space<hbm>>
      tpu.enqueue_dma source(%dma_start3A_82 : memref<8x128xf32, #tpu.memory_space<hbm>>) target(%run_scoped3A_1 : memref<8x128xf32, #tpu.memory_space<vmem>>) target_semaphore(%run_scoped3A_8 : memref<!tpu.dma_semaphore, #tpu.memory_space<semaphore_mem>>)
      %add3A_83 = arith.constant 0 : i32
      %add3A_84 = arith.addi %add3A, %add3A_83 : i32
      %multiple_of3A_85 = tpu.assume_multiple %add3A_84, 8 : i32
      %dma_start3A_86 = arith.constant 0 : i32
      %dma_start3A_87 = tpu.memref_slice %arg4[%multiple_of3A_85, %dma_start3A_86] : memref<5120x128xi32, #tpu.memory_space<hbm>> -> memref<8x128xi32, #tpu.memory_space<hbm>>
      %dma_start3A_88 = arith.constant 0 : i32
      %dma_start3A_89 = tpu.memref_slice %arg4[%multiple_of3A_85, %dma_start3A_88] : memref<5120x128xi32, #tpu.memory_space<hbm>> -> memref<8x128xi32, #tpu.memory_space<hbm>>
      tpu.enqueue_dma source(%dma_start3A_89 : memref<8x128xi32, #tpu.memory_space<hbm>>) target(%run_scoped3A_0 : memref<8x128xi32, #tpu.memory_space<vmem>>) target_semaphore(%run_scoped3A_8 : memref<!tpu.dma_semaphore, #tpu.memory_space<semaphore_mem>>)
      %scan3A_90 = arith.constant 0 : i32
      %scan3A_91 = arith.constant 0 : i32
      %scan3A_92 = arith.constant 20 : i32
      %scan3A_93 = arith.addi %scan3A_91, %scan3A_92 : i32
      %scan3A_94 = arith.constant 1 : i32
      scf.for %scan3A_210 = %scan3A_91 to %scan3A_93 step %scan3A_94  : i32 {
        %add3A_211 = arith.constant 1 : i32
        %add3A_212 = arith.addi %scan3A_210, %add3A_211 : i32
        %min3A = arith.constant 19 : i32
        %min3A_213 = arith.minsi %add3A_212, %min3A : i32
        %multiple_of3A_214 = tpu.assume_multiple %add3A, 8 : i32
        %dma_wait3A_215 = arith.constant 0 : i32
        %dma_wait3A_216 = tpu.memref_slice %arg3[%multiple_of3A_214, %dma_wait3A_215] : memref<5120x128xi32, #tpu.memory_space<hbm>> -> memref<8x128xi32, #tpu.memory_space<hbm>>
        %dma_wait3A_217 = arith.constant 0 : i32
        %dma_wait3A_218 = tpu.memref_slice %arg3[%multiple_of3A_214, %dma_wait3A_217] : memref<5120x128xi32, #tpu.memory_space<hbm>> -> memref<8x128xi32, #tpu.memory_space<hbm>>
        tpu.wait_dma2 semaphore(%run_scoped3A_8 : memref<!tpu.dma_semaphore, #tpu.memory_space<semaphore_mem>>) src(%dma_wait3A_218 : memref<8x128xi32, #tpu.memory_space<hbm>>) dst(%run_scoped3A : memref<8x128xi32, #tpu.memory_space<vmem>>)
        %dma_wait3A_219 = arith.constant 0 : i32
        %dma_wait3A_220 = tpu.memref_slice %arg5[%multiple_of3A_214, %dma_wait3A_219] : memref<5120x128xf32, #tpu.memory_space<hbm>> -> memref<8x128xf32, #tpu.memory_space<hbm>>
        %dma_wait3A_221 = arith.constant 0 : i32
        %dma_wait3A_222 = tpu.memref_slice %arg5[%multiple_of3A_214, %dma_wait3A_221] : memref<5120x128xf32, #tpu.memory_space<hbm>> -> memref<8x128xf32, #tpu.memory_space<hbm>>
        tpu.wait_dma2 semaphore(%run_scoped3A_8 : memref<!tpu.dma_semaphore, #tpu.memory_space<semaphore_mem>>) src(%dma_wait3A_222 : memref<8x128xf32, #tpu.memory_space<hbm>>) dst(%run_scoped3A_1 : memref<8x128xf32, #tpu.memory_space<vmem>>)
        %dma_wait3A_223 = arith.constant 0 : i32
        %dma_wait3A_224 = tpu.memref_slice %arg4[%multiple_of3A_214, %dma_wait3A_223] : memref<5120x128xi32, #tpu.memory_space<hbm>> -> memref<8x128xi32, #tpu.memory_space<hbm>>
        %dma_wait3A_225 = arith.constant 0 : i32
        %dma_wait3A_226 = tpu.memref_slice %arg4[%multiple_of3A_214, %dma_wait3A_225] : memref<5120x128xi32, #tpu.memory_space<hbm>> -> memref<8x128xi32, #tpu.memory_space<hbm>>
        tpu.wait_dma2 semaphore(%run_scoped3A_8 : memref<!tpu.dma_semaphore, #tpu.memory_space<semaphore_mem>>) src(%dma_wait3A_226 : memref<8x128xi32, #tpu.memory_space<hbm>>) dst(%run_scoped3A_0 : memref<8x128xi32, #tpu.memory_space<vmem>>)
        %dma_start3A_227 = arith.constant 0 : i32
        %dma_start3A_228 = arith.constant 0 : i32
        %dma_start3A_229 = tpu.memref_slice %run_scoped3A[%dma_start3A_227, %dma_start3A_228] : memref<8x128xi32, #tpu.memory_space<vmem>> -> memref<1x128xi32, #tpu.memory_space<vmem>>
        %dma_start3A_230 = tpu.memref_squeeze %dma_start3A_229 : memref<1x128xi32, #tpu.memory_space<vmem>> -> memref<128xi32, #tpu.memory_space<vmem>>
        %dma_start3A_231 = arith.constant 0 : i32
        %dma_start3A_232 = arith.constant 0 : i32
        %dma_start3A_233 = tpu.memref_slice %arg2[%dma_start3A_231, %dma_start3A_232] : memref<20000x144xf32, #tpu.memory_space<hbm>> -> memref<20000x144xf32, #tpu.memory_space<hbm>>
        tpu.enqueue_indirect_dma source(%dma_start3A_233 : memref<20000x144xf32, #tpu.memory_space<hbm>>) target(%run_scoped3A_2 : memref<128x144xf32, #tpu.memory_space<vmem>>) offsets(%dma_start3A_230 : memref<128xi32, #tpu.memory_space<vmem>>) semaphore(%run_scoped3A_4 : memref<!tpu.dma_semaphore, #tpu.memory_space<semaphore_mem>>)
        %dma_wait3A_234 = arith.constant 0 : i32
        %dma_wait3A_235 = arith.constant 0 : i32
        %dma_wait3A_236 = tpu.memref_slice %run_scoped3A[%dma_wait3A_234, %dma_wait3A_235] : memref<8x128xi32, #tpu.memory_space<vmem>> -> memref<1x128xi32, #tpu.memory_space<vmem>>
        %dma_wait3A_237 = tpu.memref_squeeze %dma_wait3A_236 : memref<1x128xi32, #tpu.memory_space<vmem>> -> memref<128xi32, #tpu.memory_space<vmem>>
        %dma_wait3A_238 = arith.constant 0 : i32
        %dma_wait3A_239 = arith.constant 0 : i32
        %dma_wait3A_240 = tpu.memref_slice %arg2[%dma_wait3A_238, %dma_wait3A_239] : memref<20000x144xf32, #tpu.memory_space<hbm>> -> memref<20000x144xf32, #tpu.memory_space<hbm>>
        tpu.wait_indirect_dma semaphore(%run_scoped3A_4 : memref<!tpu.dma_semaphore, #tpu.memory_space<semaphore_mem>>) src(%dma_wait3A_240 : memref<20000x144xf32, #tpu.memory_space<hbm>>) dst(%run_scoped3A_2 : memref<128x144xf32, #tpu.memory_space<vmem>>)
        %dma_start3A_241 = arith.constant 1 : i32
        %dma_start3A_242 = arith.constant 0 : i32
        %dma_start3A_243 = tpu.memref_slice %run_scoped3A[%dma_start3A_241, %dma_start3A_242] : memref<8x128xi32, #tpu.memory_space<vmem>> -> memref<1x128xi32, #tpu.memory_space<vmem>>
        %dma_start3A_244 = tpu.memref_squeeze %dma_start3A_243 : memref<1x128xi32, #tpu.memory_space<vmem>> -> memref<128xi32, #tpu.memory_space<vmem>>
        %dma_start3A_245 = arith.constant 0 : i32
        %dma_start3A_246 = arith.constant 0 : i32
        %dma_start3A_247 = tpu.memref_slice %arg2[%dma_start3A_245, %dma_start3A_246] : memref<20000x144xf32, #tpu.memory_space<hbm>> -> memref<20000x144xf32, #tpu.memory_space<hbm>>
        tpu.enqueue_indirect_dma source(%dma_start3A_247 : memref<20000x144xf32, #tpu.memory_space<hbm>>) target(%run_scoped3A_3 : memref<128x144xf32, #tpu.memory_space<vmem>>) offsets(%dma_start3A_244 : memref<128xi32, #tpu.memory_space<vmem>>) semaphore(%run_scoped3A_5 : memref<!tpu.dma_semaphore, #tpu.memory_space<semaphore_mem>>)
        %add3A_248 = arith.constant 0 : i32
        %add3A_249 = vector.broadcast %add3A_248 : i32 to vector<16xi32>
        %add3A_250 = arith.addi %iota3A, %add3A_249 : vector<16xi32>
        %get3A = arith.constant 0 : i32
        %get3A_251 = arith.index_cast %get3A : i32 to index
        %get3A_252 = arith.constant 0 : index
        %get3A_253 = tpu.vector_load %run_scoped3A_1[%get3A_251, %get3A_252] {strides = array<i32>} : memref<8x128xf32, #tpu.memory_space<vmem>>, vector<16xf32>,
        tpu.vector_store_idx %run_scoped3A_2[%add3A_250, %broadcast_in_dim3A_69], %get3A_253 : memref<128x144xf32, #tpu.memory_space<vmem>>[vector<16xi32>, vector<16xi32>], vector<16xf32>,
        %add3A_254 = arith.constant 16 : i32
        %add3A_255 = vector.broadcast %add3A_254 : i32 to vector<16xi32>
        %add3A_256 = arith.addi %iota3A, %add3A_255 : vector<16xi32>
        %get3A_257 = arith.constant 0 : i32
        %get3A_258 = arith.index_cast %get3A_257 : i32 to index
        %get3A_259 = arith.constant 16 : index
        %get3A_260 = tpu.vector_load %run_scoped3A_1[%get3A_258, %get3A_259] {strides = array<i32>} : memref<8x128xf32, #tpu.memory_space<vmem>>, vector<16xf32>,
        tpu.vector_store_idx %run_scoped3A_2[%add3A_256, %broadcast_in_dim3A_69], %get3A_260 : memref<128x144xf32, #tpu.memory_space<vmem>>[vector<16xi32>, vector<16xi32>], vector<16xf32>,
        %add3A_261 = arith.constant 32 : i32
        %add3A_262 = vector.broadcast %add3A_261 : i32 to vector<16xi32>
        %add3A_263 = arith.addi %iota3A, %add3A_262 : vector<16xi32>
        %get3A_264 = arith.constant 0 : i32
        %get3A_265 = arith.index_cast %get3A_264 : i32 to index
        %get3A_266 = arith.constant 32 : index
        %get3A_267 = tpu.vector_load %run_scoped3A_1[%get3A_265, %get3A_266] {strides = array<i32>} : memref<8x128xf32, #tpu.memory_space<vmem>>, vector<16xf32>,
        tpu.vector_store_idx %run_scoped3A_2[%add3A_263, %broadcast_in_dim3A_69], %get3A_267 : memref<128x144xf32, #tpu.memory_space<vmem>>[vector<16xi32>, vector<16xi32>], vector<16xf32>,
        %add3A_268 = arith.constant 48 : i32
        %add3A_269 = vector.broadcast %add3A_268 : i32 to vector<16xi32>
        %add3A_270 = arith.addi %iota3A, %add3A_269 : vector<16xi32>
        %get3A_271 = arith.constant 0 : i32
        %get3A_272 = arith.index_cast %get3A_271 : i32 to index
        %get3A_273 = arith.constant 48 : index
        %get3A_274 = tpu.vector_load %run_scoped3A_1[%get3A_272, %get3A_273] {strides = array<i32>} : memref<8x128xf32, #tpu.memory_space<vmem>>, vector<16xf32>,
        tpu.vector_store_idx %run_scoped3A_2[%add3A_270, %broadcast_in_dim3A_69], %get3A_274 : memref<128x144xf32, #tpu.memory_space<vmem>>[vector<16xi32>, vector<16xi32>], vector<16xf32>,
        %add3A_275 = arith.constant 64 : i32
        %add3A_276 = vector.broadcast %add3A_275 : i32 to vector<16xi32>
        %add3A_277 = arith.addi %iota3A, %add3A_276 : vector<16xi32>
        %get3A_278 = arith.constant 0 : i32
        %get3A_279 = arith.index_cast %get3A_278 : i32 to index
        %get3A_280 = arith.constant 64 : index
        %get3A_281 = tpu.vector_load %run_scoped3A_1[%get3A_279, %get3A_280] {strides = array<i32>} : memref<8x128xf32, #tpu.memory_space<vmem>>, vector<16xf32>,
        tpu.vector_store_idx %run_scoped3A_2[%add3A_277, %broadcast_in_dim3A_69], %get3A_281 : memref<128x144xf32, #tpu.memory_space<vmem>>[vector<16xi32>, vector<16xi32>], vector<16xf32>,
        %add3A_282 = arith.constant 80 : i32
        %add3A_283 = vector.broadcast %add3A_282 : i32 to vector<16xi32>
        %add3A_284 = arith.addi %iota3A, %add3A_283 : vector<16xi32>
        %get3A_285 = arith.constant 0 : i32
        %get3A_286 = arith.index_cast %get3A_285 : i32 to index
        %get3A_287 = arith.constant 80 : index
        %get3A_288 = tpu.vector_load %run_scoped3A_1[%get3A_286, %get3A_287] {strides = array<i32>} : memref<8x128xf32, #tpu.memory_space<vmem>>, vector<16xf32>,
        tpu.vector_store_idx %run_scoped3A_2[%add3A_284, %broadcast_in_dim3A_69], %get3A_288 : memref<128x144xf32, #tpu.memory_space<vmem>>[vector<16xi32>, vector<16xi32>], vector<16xf32>,
        %add3A_289 = arith.constant 96 : i32
        %add3A_290 = vector.broadcast %add3A_289 : i32 to vector<16xi32>
        %add3A_291 = arith.addi %iota3A, %add3A_290 : vector<16xi32>
        %get3A_292 = arith.constant 0 : i32
        %get3A_293 = arith.index_cast %get3A_292 : i32 to index
        %get3A_294 = arith.constant 96 : index
        %get3A_295 = tpu.vector_load %run_scoped3A_1[%get3A_293, %get3A_294] {strides = array<i32>} : memref<8x128xf32, #tpu.memory_space<vmem>>, vector<16xf32>,
        tpu.vector_store_idx %run_scoped3A_2[%add3A_291, %broadcast_in_dim3A_69], %get3A_295 : memref<128x144xf32, #tpu.memory_space<vmem>>[vector<16xi32>, vector<16xi32>], vector<16xf32>,
        %add3A_296 = arith.constant 112 : i32
        %add3A_297 = vector.broadcast %add3A_296 : i32 to vector<16xi32>
        %add3A_298 = arith.addi %iota3A, %add3A_297 : vector<16xi32>
        %get3A_299 = arith.constant 0 : i32
        %get3A_300 = arith.index_cast %get3A_299 : i32 to index
        %get3A_301 = arith.constant 112 : index
        %get3A_302 = tpu.vector_load %run_scoped3A_1[%get3A_300, %get3A_301] {strides = array<i32>} : memref<8x128xf32, #tpu.memory_space<vmem>>, vector<16xf32>,
        tpu.vector_store_idx %run_scoped3A_2[%add3A_298, %broadcast_in_dim3A_69], %get3A_302 : memref<128x144xf32, #tpu.memory_space<vmem>>[vector<16xi32>, vector<16xi32>], vector<16xf32>,
        %dma_start3A_303 = arith.constant 0 : i32
        %dma_start3A_304 = arith.constant 0 : i32
        %dma_start3A_305 = tpu.memref_slice %run_scoped3A_0[%dma_start3A_303, %dma_start3A_304] : memref<8x128xi32, #tpu.memory_space<vmem>> -> memref<1x128xi32, #tpu.memory_space<vmem>>
        %dma_start3A_306 = tpu.memref_squeeze %dma_start3A_305 : memref<1x128xi32, #tpu.memory_space<vmem>> -> memref<128xi32, #tpu.memory_space<vmem>>
        %dma_start3A_307 = arith.constant 0 : i32
        %dma_start3A_308 = arith.constant 0 : i32
        %dma_start3A_309 = tpu.memref_slice %arg7[%dma_start3A_307, %dma_start3A_308] : memref<10016x144xf32, #tpu.memory_space<vmem_shared>> -> memref<10016x144xf32, #tpu.memory_space<vmem_shared>>
        tpu.enqueue_indirect_dma source(%run_scoped3A_2 : memref<128x144xf32, #tpu.memory_space<vmem>>) target(%dma_start3A_309 : memref<10016x144xf32, #tpu.memory_space<vmem_shared>>) offsets(%dma_start3A_306 : memref<128xi32, #tpu.memory_space<vmem>>) semaphore(%run_scoped3A_6 : memref<!tpu.dma_semaphore, #tpu.memory_space<semaphore_mem>>) {add = true}
        %dma_wait3A_310 = arith.constant 1 : i32
        %dma_wait3A_311 = arith.constant 0 : i32
        %dma_wait3A_312 = tpu.memref_slice %run_scoped3A[%dma_wait3A_310, %dma_wait3A_311] : memref<8x128xi32, #tpu.memory_space<vmem>> -> memref<1x128xi32, #tpu.memory_space<vmem>>
        %dma_wait3A_313 = tpu.memref_squeeze %dma_wait3A_312 : memref<1x128xi32, #tpu.memory_space<vmem>> -> memref<128xi32, #tpu.memory_space<vmem>>
        %dma_wait3A_314 = arith.constant 0 : i32
        %dma_wait3A_315 = arith.constant 0 : i32
        %dma_wait3A_316 = tpu.memref_slice %arg2[%dma_wait3A_314, %dma_wait3A_315] : memref<20000x144xf32, #tpu.memory_space<hbm>> -> memref<20000x144xf32, #tpu.memory_space<hbm>>
        tpu.wait_indirect_dma semaphore(%run_scoped3A_5 : memref<!tpu.dma_semaphore, #tpu.memory_space<semaphore_mem>>) src(%dma_wait3A_316 : memref<20000x144xf32, #tpu.memory_space<hbm>>) dst(%run_scoped3A_3 : memref<128x144xf32, #tpu.memory_space<vmem>>)
        %dma_wait3A_317 = arith.constant 0 : i32
        %dma_wait3A_318 = arith.constant 0 : i32
        %dma_wait3A_319 = tpu.memref_slice %run_scoped3A_0[%dma_wait3A_317, %dma_wait3A_318] : memref<8x128xi32, #tpu.memory_space<vmem>> -> memref<1x128xi32, #tpu.memory_space<vmem>>
        %dma_wait3A_320 = tpu.memref_squeeze %dma_wait3A_319 : memref<1x128xi32, #tpu.memory_space<vmem>> -> memref<128xi32, #tpu.memory_space<vmem>>
        %dma_wait3A_321 = arith.constant 0 : i32
        %dma_wait3A_322 = arith.constant 0 : i32
        %dma_wait3A_323 = tpu.memref_slice %arg7[%dma_wait3A_321, %dma_wait3A_322] : memref<10016x144xf32, #tpu.memory_space<vmem_shared>> -> memref<10016x144xf32, #tpu.memory_space<vmem_shared>>
        tpu.wait_indirect_dma semaphore(%run_scoped3A_6 : memref<!tpu.dma_semaphore, #tpu.memory_space<semaphore_mem>>) src(%run_scoped3A_2 : memref<128x144xf32, #tpu.memory_space<vmem>>) dst(%dma_wait3A_323 : memref<10016x144xf32, #tpu.memory_space<vmem_shared>>)
        %dma_start3A_324 = arith.constant 2 : i32
        %dma_start3A_325 = arith.constant 0 : i32
        %dma_start3A_326 = tpu.memref_slice %run_scoped3A[%dma_start3A_324, %dma_start3A_325] : memref<8x128xi32, #tpu.memory_space<vmem>> -> memref<1x128xi32, #tpu.memory_space<vmem>>
        %dma_start3A_327 = tpu.memref_squeeze %dma_start3A_326 : memref<1x128xi32, #tpu.memory_space<vmem>> -> memref<128xi32, #tpu.memory_space<vmem>>
        %dma_start3A_328 = arith.constant 0 : i32
        %dma_start3A_329 = arith.constant 0 : i32
        %dma_start3A_330 = tpu.memref_slice %arg2[%dma_start3A_328, %dma_start3A_329] : memref<20000x144xf32, #tpu.memory_space<hbm>> -> memref<20000x144xf32, #tpu.memory_space<hbm>>
        tpu.enqueue_indirect_dma source(%dma_start3A_330 : memref<20000x144xf32, #tpu.memory_space<hbm>>) target(%run_scoped3A_2 : memref<128x144xf32, #tpu.memory_space<vmem>>) offsets(%dma_start3A_327 : memref<128xi32, #tpu.memory_space<vmem>>) semaphore(%run_scoped3A_4 : memref<!tpu.dma_semaphore, #tpu.memory_space<semaphore_mem>>)
        %add3A_331 = arith.constant 0 : i32
        %add3A_332 = vector.broadcast %add3A_331 : i32 to vector<16xi32>
        %add3A_333 = arith.addi %iota3A, %add3A_332 : vector<16xi32>
        %get3A_334 = arith.constant 1 : i32
        %get3A_335 = arith.index_cast %get3A_334 : i32 to index
        %get3A_336 = arith.constant 0 : index
        %get3A_337 = tpu.vector_load %run_scoped3A_1[%get3A_335, %get3A_336] {strides = array<i32>} : memref<8x128xf32, #tpu.memory_space<vmem>>, vector<16xf32>,
        tpu.vector_store_idx %run_scoped3A_3[%add3A_333, %broadcast_in_dim3A_69], %get3A_337 : memref<128x144xf32, #tpu.memory_space<vmem>>[vector<16xi32>, vector<16xi32>], vector<16xf32>,
        %add3A_338 = arith.constant 16 : i32
        %add3A_339 = vector.broadcast %add3A_338 : i32 to vector<16xi32>
        %add3A_340 = arith.addi %iota3A, %add3A_339 : vector<16xi32>
        %get3A_341 = arith.constant 1 : i32
        %get3A_342 = arith.index_cast %get3A_341 : i32 to index
        %get3A_343 = arith.constant 16 : index
        %get3A_344 = tpu.vector_load %run_scoped3A_1[%get3A_342, %get3A_343] {strides = array<i32>} : memref<8x128xf32, #tpu.memory_space<vmem>>, vector<16xf32>,
        tpu.vector_store_idx %run_scoped3A_3[%add3A_340, %broadcast_in_dim3A_69], %get3A_344 : memref<128x144xf32, #tpu.memory_space<vmem>>[vector<16xi32>, vector<16xi32>], vector<16xf32>,
        %add3A_345 = arith.constant 32 : i32
        %add3A_346 = vector.broadcast %add3A_345 : i32 to vector<16xi32>
        %add3A_347 = arith.addi %iota3A, %add3A_346 : vector<16xi32>
        %get3A_348 = arith.constant 1 : i32
        %get3A_349 = arith.index_cast %get3A_348 : i32 to index
        %get3A_350 = arith.constant 32 : index
        %get3A_351 = tpu.vector_load %run_scoped3A_1[%get3A_349, %get3A_350] {strides = array<i32>} : memref<8x128xf32, #tpu.memory_space<vmem>>, vector<16xf32>,
        tpu.vector_store_idx %run_scoped3A_3[%add3A_347, %broadcast_in_dim3A_69], %get3A_351 : memref<128x144xf32, #tpu.memory_space<vmem>>[vector<16xi32>, vector<16xi32>], vector<16xf32>,
        %add3A_352 = arith.constant 48 : i32
        %add3A_353 = vector.broadcast %add3A_352 : i32 to vector<16xi32>
        %add3A_354 = arith.addi %iota3A, %add3A_353 : vector<16xi32>
        %get3A_355 = arith.constant 1 : i32
        %get3A_356 = arith.index_cast %get3A_355 : i32 to index
        %get3A_357 = arith.constant 48 : index
        %get3A_358 = tpu.vector_load %run_scoped3A_1[%get3A_356, %get3A_357] {strides = array<i32>} : memref<8x128xf32, #tpu.memory_space<vmem>>, vector<16xf32>,
        tpu.vector_store_idx %run_scoped3A_3[%add3A_354, %broadcast_in_dim3A_69], %get3A_358 : memref<128x144xf32, #tpu.memory_space<vmem>>[vector<16xi32>, vector<16xi32>], vector<16xf32>,
        %add3A_359 = arith.constant 64 : i32
        %add3A_360 = vector.broadcast %add3A_359 : i32 to vector<16xi32>
        %add3A_361 = arith.addi %iota3A, %add3A_360 : vector<16xi32>
        %get3A_362 = arith.constant 1 : i32
        %get3A_363 = arith.index_cast %get3A_362 : i32 to index
        %get3A_364 = arith.constant 64 : index
        %get3A_365 = tpu.vector_load %run_scoped3A_1[%get3A_363, %get3A_364] {strides = array<i32>} : memref<8x128xf32, #tpu.memory_space<vmem>>, vector<16xf32>,
        tpu.vector_store_idx %run_scoped3A_3[%add3A_361, %broadcast_in_dim3A_69], %get3A_365 : memref<128x144xf32, #tpu.memory_space<vmem>>[vector<16xi32>, vector<16xi32>], vector<16xf32>,
        %add3A_366 = arith.constant 80 : i32
        %add3A_367 = vector.broadcast %add3A_366 : i32 to vector<16xi32>
        %add3A_368 = arith.addi %iota3A, %add3A_367 : vector<16xi32>
        %get3A_369 = arith.constant 1 : i32
        %get3A_370 = arith.index_cast %get3A_369 : i32 to index
        %get3A_371 = arith.constant 80 : index
        %get3A_372 = tpu.vector_load %run_scoped3A_1[%get3A_370, %get3A_371] {strides = array<i32>} : memref<8x128xf32, #tpu.memory_space<vmem>>, vector<16xf32>,
        tpu.vector_store_idx %run_scoped3A_3[%add3A_368, %broadcast_in_dim3A_69], %get3A_372 : memref<128x144xf32, #tpu.memory_space<vmem>>[vector<16xi32>, vector<16xi32>], vector<16xf32>,
        %add3A_373 = arith.constant 96 : i32
        %add3A_374 = vector.broadcast %add3A_373 : i32 to vector<16xi32>
        %add3A_375 = arith.addi %iota3A, %add3A_374 : vector<16xi32>
        %get3A_376 = arith.constant 1 : i32
        %get3A_377 = arith.index_cast %get3A_376 : i32 to index
        %get3A_378 = arith.constant 96 : index
        %get3A_379 = tpu.vector_load %run_scoped3A_1[%get3A_377, %get3A_378] {strides = array<i32>} : memref<8x128xf32, #tpu.memory_space<vmem>>, vector<16xf32>,
        tpu.vector_store_idx %run_scoped3A_3[%add3A_375, %broadcast_in_dim3A_69], %get3A_379 : memref<128x144xf32, #tpu.memory_space<vmem>>[vector<16xi32>, vector<16xi32>], vector<16xf32>,
        %add3A_380 = arith.constant 112 : i32
        %add3A_381 = vector.broadcast %add3A_380 : i32 to vector<16xi32>
        %add3A_382 = arith.addi %iota3A, %add3A_381 : vector<16xi32>
        %get3A_383 = arith.constant 1 : i32
        %get3A_384 = arith.index_cast %get3A_383 : i32 to index
        %get3A_385 = arith.constant 112 : index
        %get3A_386 = tpu.vector_load %run_scoped3A_1[%get3A_384, %get3A_385] {strides = array<i32>} : memref<8x128xf32, #tpu.memory_space<vmem>>, vector<16xf32>,
        tpu.vector_store_idx %run_scoped3A_3[%add3A_382, %broadcast_in_dim3A_69], %get3A_386 : memref<128x144xf32, #tpu.memory_space<vmem>>[vector<16xi32>, vector<16xi32>], vector<16xf32>,
        %dma_start3A_387 = arith.constant 1 : i32
        %dma_start3A_388 = arith.constant 0 : i32
        %dma_start3A_389 = tpu.memref_slice %run_scoped3A_0[%dma_start3A_387, %dma_start3A_388] : memref<8x128xi32, #tpu.memory_space<vmem>> -> memref<1x128xi32, #tpu.memory_space<vmem>>
        %dma_start3A_390 = tpu.memref_squeeze %dma_start3A_389 : memref<1x128xi32, #tpu.memory_space<vmem>> -> memref<128xi32, #tpu.memory_space<vmem>>
        %dma_start3A_391 = arith.constant 0 : i32
        %dma_start3A_392 = arith.constant 0 : i32
        %dma_start3A_393 = tpu.memref_slice %arg7[%dma_start3A_391, %dma_start3A_392] : memref<10016x144xf32, #tpu.memory_space<vmem_shared>> -> memref<10016x144xf32, #tpu.memory_space<vmem_shared>>
        tpu.enqueue_indirect_dma source(%run_scoped3A_3 : memref<128x144xf32, #tpu.memory_space<vmem>>) target(%dma_start3A_393 : memref<10016x144xf32, #tpu.memory_space<vmem_shared>>) offsets(%dma_start3A_390 : memref<128xi32, #tpu.memory_space<vmem>>) semaphore(%run_scoped3A_7 : memref<!tpu.dma_semaphore, #tpu.memory_space<semaphore_mem>>) {add = true}
        %dma_wait3A_394 = arith.constant 2 : i32
        %dma_wait3A_395 = arith.constant 0 : i32
        %dma_wait3A_396 = tpu.memref_slice %run_scoped3A[%dma_wait3A_394, %dma_wait3A_395] : memref<8x128xi32, #tpu.memory_space<vmem>> -> memref<1x128xi32, #tpu.memory_space<vmem>>
        %dma_wait3A_397 = tpu.memref_squeeze %dma_wait3A_396 : memref<1x128xi32, #tpu.memory_space<vmem>> -> memref<128xi32, #tpu.memory_space<vmem>>
        %dma_wait3A_398 = arith.constant 0 : i32
        %dma_wait3A_399 = arith.constant 0 : i32
        %dma_wait3A_400 = tpu.memref_slice %arg2[%dma_wait3A_398, %dma_wait3A_399] : memref<20000x144xf32, #tpu.memory_space<hbm>> -> memref<20000x144xf32, #tpu.memory_space<hbm>>
        tpu.wait_indirect_dma semaphore(%run_scoped3A_4 : memref<!tpu.dma_semaphore, #tpu.memory_space<semaphore_mem>>) src(%dma_wait3A_400 : memref<20000x144xf32, #tpu.memory_space<hbm>>) dst(%run_scoped3A_2 : memref<128x144xf32, #tpu.memory_space<vmem>>)
        %dma_wait3A_401 = arith.constant 1 : i32
        %dma_wait3A_402 = arith.constant 0 : i32
        %dma_wait3A_403 = tpu.memref_slice %run_scoped3A_0[%dma_wait3A_401, %dma_wait3A_402] : memref<8x128xi32, #tpu.memory_space<vmem>> -> memref<1x128xi32, #tpu.memory_space<vmem>>
        %dma_wait3A_404 = tpu.memref_squeeze %dma_wait3A_403 : memref<1x128xi32, #tpu.memory_space<vmem>> -> memref<128xi32, #tpu.memory_space<vmem>>
        %dma_wait3A_405 = arith.constant 0 : i32
        %dma_wait3A_406 = arith.constant 0 : i32
        %dma_wait3A_407 = tpu.memref_slice %arg7[%dma_wait3A_405, %dma_wait3A_406] : memref<10016x144xf32, #tpu.memory_space<vmem_shared>> -> memref<10016x144xf32, #tpu.memory_space<vmem_shared>>
        tpu.wait_indirect_dma semaphore(%run_scoped3A_7 : memref<!tpu.dma_semaphore, #tpu.memory_space<semaphore_mem>>) src(%run_scoped3A_3 : memref<128x144xf32, #tpu.memory_space<vmem>>) dst(%dma_wait3A_407 : memref<10016x144xf32, #tpu.memory_space<vmem_shared>>)
        %dma_start3A_408 = arith.constant 3 : i32
        %dma_start3A_409 = arith.constant 0 : i32
        %dma_start3A_410 = tpu.memref_slice %run_scoped3A[%dma_start3A_408, %dma_start3A_409] : memref<8x128xi32, #tpu.memory_space<vmem>> -> memref<1x128xi32, #tpu.memory_space<vmem>>
        %dma_start3A_411 = tpu.memref_squeeze %dma_start3A_410 : memref<1x128xi32, #tpu.memory_space<vmem>> -> memref<128xi32, #tpu.memory_space<vmem>>
        %dma_start3A_412 = arith.constant 0 : i32
        %dma_start3A_413 = arith.constant 0 : i32
        %dma_start3A_414 = tpu.memref_slice %arg2[%dma_start3A_412, %dma_start3A_413] : memref<20000x144xf32, #tpu.memory_space<hbm>> -> memref<20000x144xf32, #tpu.memory_space<hbm>>
        tpu.enqueue_indirect_dma source(%dma_start3A_414 : memref<20000x144xf32, #tpu.memory_space<hbm>>) target(%run_scoped3A_3 : memref<128x144xf32, #tpu.memory_space<vmem>>) offsets(%dma_start3A_411 : memref<128xi32, #tpu.memory_space<vmem>>) semaphore(%run_scoped3A_5 : memref<!tpu.dma_semaphore, #tpu.memory_space<semaphore_mem>>)
        %add3A_415 = arith.constant 0 : i32
        %add3A_416 = vector.broadcast %add3A_415 : i32 to vector<16xi32>
        %add3A_417 = arith.addi %iota3A, %add3A_416 : vector<16xi32>
        %get3A_418 = arith.constant 2 : i32
        %get3A_419 = arith.index_cast %get3A_418 : i32 to index
        %get3A_420 = arith.constant 0 : index
        %get3A_421 = tpu.vector_load %run_scoped3A_1[%get3A_419, %get3A_420] {strides = array<i32>} : memref<8x128xf32, #tpu.memory_space<vmem>>, vector<16xf32>,
        tpu.vector_store_idx %run_scoped3A_2[%add3A_417, %broadcast_in_dim3A_69], %get3A_421 : memref<128x144xf32, #tpu.memory_space<vmem>>[vector<16xi32>, vector<16xi32>], vector<16xf32>,
        %add3A_422 = arith.constant 16 : i32
        %add3A_423 = vector.broadcast %add3A_422 : i32 to vector<16xi32>
        %add3A_424 = arith.addi %iota3A, %add3A_423 : vector<16xi32>
        %get3A_425 = arith.constant 2 : i32
        %get3A_426 = arith.index_cast %get3A_425 : i32 to index
        %get3A_427 = arith.constant 16 : index
        %get3A_428 = tpu.vector_load %run_scoped3A_1[%get3A_426, %get3A_427] {strides = array<i32>} : memref<8x128xf32, #tpu.memory_space<vmem>>, vector<16xf32>,
        tpu.vector_store_idx %run_scoped3A_2[%add3A_424, %broadcast_in_dim3A_69], %get3A_428 : memref<128x144xf32, #tpu.memory_space<vmem>>[vector<16xi32>, vector<16xi32>], vector<16xf32>,
        %add3A_429 = arith.constant 32 : i32
        %add3A_430 = vector.broadcast %add3A_429 : i32 to vector<16xi32>
        %add3A_431 = arith.addi %iota3A, %add3A_430 : vector<16xi32>
        %get3A_432 = arith.constant 2 : i32
        %get3A_433 = arith.index_cast %get3A_432 : i32 to index
        %get3A_434 = arith.constant 32 : index
        %get3A_435 = tpu.vector_load %run_scoped3A_1[%get3A_433, %get3A_434] {strides = array<i32>} : memref<8x128xf32, #tpu.memory_space<vmem>>, vector<16xf32>,
        tpu.vector_store_idx %run_scoped3A_2[%add3A_431, %broadcast_in_dim3A_69], %get3A_435 : memref<128x144xf32, #tpu.memory_space<vmem>>[vector<16xi32>, vector<16xi32>], vector<16xf32>,
        %add3A_436 = arith.constant 48 : i32
        %add3A_437 = vector.broadcast %add3A_436 : i32 to vector<16xi32>
        %add3A_438 = arith.addi %iota3A, %add3A_437 : vector<16xi32>
        %get3A_439 = arith.constant 2 : i32
        %get3A_440 = arith.index_cast %get3A_439 : i32 to index
        %get3A_441 = arith.constant 48 : index
        %get3A_442 = tpu.vector_load %run_scoped3A_1[%get3A_440, %get3A_441] {strides = array<i32>} : memref<8x128xf32, #tpu.memory_space<vmem>>, vector<16xf32>,
        tpu.vector_store_idx %run_scoped3A_2[%add3A_438, %broadcast_in_dim3A_69], %get3A_442 : memref<128x144xf32, #tpu.memory_space<vmem>>[vector<16xi32>, vector<16xi32>], vector<16xf32>,
        %add3A_443 = arith.constant 64 : i32
        %add3A_444 = vector.broadcast %add3A_443 : i32 to vector<16xi32>
        %add3A_445 = arith.addi %iota3A, %add3A_444 : vector<16xi32>
        %get3A_446 = arith.constant 2 : i32
        %get3A_447 = arith.index_cast %get3A_446 : i32 to index
        %get3A_448 = arith.constant 64 : index
        %get3A_449 = tpu.vector_load %run_scoped3A_1[%get3A_447, %get3A_448] {strides = array<i32>} : memref<8x128xf32, #tpu.memory_space<vmem>>, vector<16xf32>,
        tpu.vector_store_idx %run_scoped3A_2[%add3A_445, %broadcast_in_dim3A_69], %get3A_449 : memref<128x144xf32, #tpu.memory_space<vmem>>[vector<16xi32>, vector<16xi32>], vector<16xf32>,
        %add3A_450 = arith.constant 80 : i32
        %add3A_451 = vector.broadcast %add3A_450 : i32 to vector<16xi32>
        %add3A_452 = arith.addi %iota3A, %add3A_451 : vector<16xi32>
        %get3A_453 = arith.constant 2 : i32
        %get3A_454 = arith.index_cast %get3A_453 : i32 to index
        %get3A_455 = arith.constant 80 : index
        %get3A_456 = tpu.vector_load %run_scoped3A_1[%get3A_454, %get3A_455] {strides = array<i32>} : memref<8x128xf32, #tpu.memory_space<vmem>>, vector<16xf32>,
        tpu.vector_store_idx %run_scoped3A_2[%add3A_452, %broadcast_in_dim3A_69], %get3A_456 : memref<128x144xf32, #tpu.memory_space<vmem>>[vector<16xi32>, vector<16xi32>], vector<16xf32>,
        %add3A_457 = arith.constant 96 : i32
        %add3A_458 = vector.broadcast %add3A_457 : i32 to vector<16xi32>
        %add3A_459 = arith.addi %iota3A, %add3A_458 : vector<16xi32>
        %get3A_460 = arith.constant 2 : i32
        %get3A_461 = arith.index_cast %get3A_460 : i32 to index
        %get3A_462 = arith.constant 96 : index
        %get3A_463 = tpu.vector_load %run_scoped3A_1[%get3A_461, %get3A_462] {strides = array<i32>} : memref<8x128xf32, #tpu.memory_space<vmem>>, vector<16xf32>,
        tpu.vector_store_idx %run_scoped3A_2[%add3A_459, %broadcast_in_dim3A_69], %get3A_463 : memref<128x144xf32, #tpu.memory_space<vmem>>[vector<16xi32>, vector<16xi32>], vector<16xf32>,
        %add3A_464 = arith.constant 112 : i32
        %add3A_465 = vector.broadcast %add3A_464 : i32 to vector<16xi32>
        %add3A_466 = arith.addi %iota3A, %add3A_465 : vector<16xi32>
        %get3A_467 = arith.constant 2 : i32
        %get3A_468 = arith.index_cast %get3A_467 : i32 to index
        %get3A_469 = arith.constant 112 : index
        %get3A_470 = tpu.vector_load %run_scoped3A_1[%get3A_468, %get3A_469] {strides = array<i32>} : memref<8x128xf32, #tpu.memory_space<vmem>>, vector<16xf32>,
        tpu.vector_store_idx %run_scoped3A_2[%add3A_466, %broadcast_in_dim3A_69], %get3A_470 : memref<128x144xf32, #tpu.memory_space<vmem>>[vector<16xi32>, vector<16xi32>], vector<16xf32>,
        %dma_start3A_471 = arith.constant 2 : i32
        %dma_start3A_472 = arith.constant 0 : i32
        %dma_start3A_473 = tpu.memref_slice %run_scoped3A_0[%dma_start3A_471, %dma_start3A_472] : memref<8x128xi32, #tpu.memory_space<vmem>> -> memref<1x128xi32, #tpu.memory_space<vmem>>
        %dma_start3A_474 = tpu.memref_squeeze %dma_start3A_473 : memref<1x128xi32, #tpu.memory_space<vmem>> -> memref<128xi32, #tpu.memory_space<vmem>>
        %dma_start3A_475 = arith.constant 0 : i32
        %dma_start3A_476 = arith.constant 0 : i32
        %dma_start3A_477 = tpu.memref_slice %arg7[%dma_start3A_475, %dma_start3A_476] : memref<10016x144xf32, #tpu.memory_space<vmem_shared>> -> memref<10016x144xf32, #tpu.memory_space<vmem_shared>>
        tpu.enqueue_indirect_dma source(%run_scoped3A_2 : memref<128x144xf32, #tpu.memory_space<vmem>>) target(%dma_start3A_477 : memref<10016x144xf32, #tpu.memory_space<vmem_shared>>) offsets(%dma_start3A_474 : memref<128xi32, #tpu.memory_space<vmem>>) semaphore(%run_scoped3A_6 : memref<!tpu.dma_semaphore, #tpu.memory_space<semaphore_mem>>) {add = true}
        %dma_wait3A_478 = arith.constant 3 : i32
        %dma_wait3A_479 = arith.constant 0 : i32
        %dma_wait3A_480 = tpu.memref_slice %run_scoped3A[%dma_wait3A_478, %dma_wait3A_479] : memref<8x128xi32, #tpu.memory_space<vmem>> -> memref<1x128xi32, #tpu.memory_space<vmem>>
        %dma_wait3A_481 = tpu.memref_squeeze %dma_wait3A_480 : memref<1x128xi32, #tpu.memory_space<vmem>> -> memref<128xi32, #tpu.memory_space<vmem>>
        %dma_wait3A_482 = arith.constant 0 : i32
        %dma_wait3A_483 = arith.constant 0 : i32
        %dma_wait3A_484 = tpu.memref_slice %arg2[%dma_wait3A_482, %dma_wait3A_483] : memref<20000x144xf32, #tpu.memory_space<hbm>> -> memref<20000x144xf32, #tpu.memory_space<hbm>>
        tpu.wait_indirect_dma semaphore(%run_scoped3A_5 : memref<!tpu.dma_semaphore, #tpu.memory_space<semaphore_mem>>) src(%dma_wait3A_484 : memref<20000x144xf32, #tpu.memory_space<hbm>>) dst(%run_scoped3A_3 : memref<128x144xf32, #tpu.memory_space<vmem>>)
        %dma_wait3A_485 = arith.constant 2 : i32
        %dma_wait3A_486 = arith.constant 0 : i32
        %dma_wait3A_487 = tpu.memref_slice %run_scoped3A_0[%dma_wait3A_485, %dma_wait3A_486] : memref<8x128xi32, #tpu.memory_space<vmem>> -> memref<1x128xi32, #tpu.memory_space<vmem>>
        %dma_wait3A_488 = tpu.memref_squeeze %dma_wait3A_487 : memref<1x128xi32, #tpu.memory_space<vmem>> -> memref<128xi32, #tpu.memory_space<vmem>>
        %dma_wait3A_489 = arith.constant 0 : i32
        %dma_wait3A_490 = arith.constant 0 : i32
        %dma_wait3A_491 = tpu.memref_slice %arg7[%dma_wait3A_489, %dma_wait3A_490] : memref<10016x144xf32, #tpu.memory_space<vmem_shared>> -> memref<10016x144xf32, #tpu.memory_space<vmem_shared>>
        tpu.wait_indirect_dma semaphore(%run_scoped3A_6 : memref<!tpu.dma_semaphore, #tpu.memory_space<semaphore_mem>>) src(%run_scoped3A_2 : memref<128x144xf32, #tpu.memory_space<vmem>>) dst(%dma_wait3A_491 : memref<10016x144xf32, #tpu.memory_space<vmem_shared>>)
        %dma_start3A_492 = arith.constant 4 : i32
        %dma_start3A_493 = arith.constant 0 : i32
        %dma_start3A_494 = tpu.memref_slice %run_scoped3A[%dma_start3A_492, %dma_start3A_493] : memref<8x128xi32, #tpu.memory_space<vmem>> -> memref<1x128xi32, #tpu.memory_space<vmem>>
        %dma_start3A_495 = tpu.memref_squeeze %dma_start3A_494 : memref<1x128xi32, #tpu.memory_space<vmem>> -> memref<128xi32, #tpu.memory_space<vmem>>
        %dma_start3A_496 = arith.constant 0 : i32
        %dma_start3A_497 = arith.constant 0 : i32
        %dma_start3A_498 = tpu.memref_slice %arg2[%dma_start3A_496, %dma_start3A_497] : memref<20000x144xf32, #tpu.memory_space<hbm>> -> memref<20000x144xf32, #tpu.memory_space<hbm>>
        tpu.enqueue_indirect_dma source(%dma_start3A_498 : memref<20000x144xf32, #tpu.memory_space<hbm>>) target(%run_scoped3A_2 : memref<128x144xf32, #tpu.memory_space<vmem>>) offsets(%dma_start3A_495 : memref<128xi32, #tpu.memory_space<vmem>>) semaphore(%run_scoped3A_4 : memref<!tpu.dma_semaphore, #tpu.memory_space<semaphore_mem>>)
        %add3A_499 = arith.constant 0 : i32
        %add3A_500 = vector.broadcast %add3A_499 : i32 to vector<16xi32>
        %add3A_501 = arith.addi %iota3A, %add3A_500 : vector<16xi32>
        %get3A_502 = arith.constant 3 : i32
        %get3A_503 = arith.index_cast %get3A_502 : i32 to index
        %get3A_504 = arith.constant 0 : index
        %get3A_505 = tpu.vector_load %run_scoped3A_1[%get3A_503, %get3A_504] {strides = array<i32>} : memref<8x128xf32, #tpu.memory_space<vmem>>, vector<16xf32>,
        tpu.vector_store_idx %run_scoped3A_3[%add3A_501, %broadcast_in_dim3A_69], %get3A_505 : memref<128x144xf32, #tpu.memory_space<vmem>>[vector<16xi32>, vector<16xi32>], vector<16xf32>,
        %add3A_506 = arith.constant 16 : i32
        %add3A_507 = vector.broadcast %add3A_506 : i32 to vector<16xi32>
        %add3A_508 = arith.addi %iota3A, %add3A_507 : vector<16xi32>
        %get3A_509 = arith.constant 3 : i32
        %get3A_510 = arith.index_cast %get3A_509 : i32 to index
        %get3A_511 = arith.constant 16 : index
        %get3A_512 = tpu.vector_load %run_scoped3A_1[%get3A_510, %get3A_511] {strides = array<i32>} : memref<8x128xf32, #tpu.memory_space<vmem>>, vector<16xf32>,
        tpu.vector_store_idx %run_scoped3A_3[%add3A_508, %broadcast_in_dim3A_69], %get3A_512 : memref<128x144xf32, #tpu.memory_space<vmem>>[vector<16xi32>, vector<16xi32>], vector<16xf32>,
        %add3A_513 = arith.constant 32 : i32
        %add3A_514 = vector.broadcast %add3A_513 : i32 to vector<16xi32>
        %add3A_515 = arith.addi %iota3A, %add3A_514 : vector<16xi32>
        %get3A_516 = arith.constant 3 : i32
        %get3A_517 = arith.index_cast %get3A_516 : i32 to index
        %get3A_518 = arith.constant 32 : index
        %get3A_519 = tpu.vector_load %run_scoped3A_1[%get3A_517, %get3A_518] {strides = array<i32>} : memref<8x128xf32, #tpu.memory_space<vmem>>, vector<16xf32>,
        tpu.vector_store_idx %run_scoped3A_3[%add3A_515, %broadcast_in_dim3A_69], %get3A_519 : memref<128x144xf32, #tpu.memory_space<vmem>>[vector<16xi32>, vector<16xi32>], vector<16xf32>,
        %add3A_520 = arith.constant 48 : i32
        %add3A_521 = vector.broadcast %add3A_520 : i32 to vector<16xi32>
        %add3A_522 = arith.addi %iota3A, %add3A_521 : vector<16xi32>
        %get3A_523 = arith.constant 3 : i32
        %get3A_524 = arith.index_cast %get3A_523 : i32 to index
        %get3A_525 = arith.constant 48 : index
        %get3A_526 = tpu.vector_load %run_scoped3A_1[%get3A_524, %get3A_525] {strides = array<i32>} : memref<8x128xf32, #tpu.memory_space<vmem>>, vector<16xf32>,
        tpu.vector_store_idx %run_scoped3A_3[%add3A_522, %broadcast_in_dim3A_69], %get3A_526 : memref<128x144xf32, #tpu.memory_space<vmem>>[vector<16xi32>, vector<16xi32>], vector<16xf32>,
        %add3A_527 = arith.constant 64 : i32
        %add3A_528 = vector.broadcast %add3A_527 : i32 to vector<16xi32>
        %add3A_529 = arith.addi %iota3A, %add3A_528 : vector<16xi32>
        %get3A_530 = arith.constant 3 : i32
        %get3A_531 = arith.index_cast %get3A_530 : i32 to index
        %get3A_532 = arith.constant 64 : index
        %get3A_533 = tpu.vector_load %run_scoped3A_1[%get3A_531, %get3A_532] {strides = array<i32>} : memref<8x128xf32, #tpu.memory_space<vmem>>, vector<16xf32>,
        tpu.vector_store_idx %run_scoped3A_3[%add3A_529, %broadcast_in_dim3A_69], %get3A_533 : memref<128x144xf32, #tpu.memory_space<vmem>>[vector<16xi32>, vector<16xi32>], vector<16xf32>,
        %add3A_534 = arith.constant 80 : i32
        %add3A_535 = vector.broadcast %add3A_534 : i32 to vector<16xi32>
        %add3A_536 = arith.addi %iota3A, %add3A_535 : vector<16xi32>
        %get3A_537 = arith.constant 3 : i32
        %get3A_538 = arith.index_cast %get3A_537 : i32 to index
        %get3A_539 = arith.constant 80 : index
        %get3A_540 = tpu.vector_load %run_scoped3A_1[%get3A_538, %get3A_539] {strides = array<i32>} : memref<8x128xf32, #tpu.memory_space<vmem>>, vector<16xf32>,
        tpu.vector_store_idx %run_scoped3A_3[%add3A_536, %broadcast_in_dim3A_69], %get3A_540 : memref<128x144xf32, #tpu.memory_space<vmem>>[vector<16xi32>, vector<16xi32>], vector<16xf32>,
        %add3A_541 = arith.constant 96 : i32
        %add3A_542 = vector.broadcast %add3A_541 : i32 to vector<16xi32>
        %add3A_543 = arith.addi %iota3A, %add3A_542 : vector<16xi32>
        %get3A_544 = arith.constant 3 : i32
        %get3A_545 = arith.index_cast %get3A_544 : i32 to index
        %get3A_546 = arith.constant 96 : index
        %get3A_547 = tpu.vector_load %run_scoped3A_1[%get3A_545, %get3A_546] {strides = array<i32>} : memref<8x128xf32, #tpu.memory_space<vmem>>, vector<16xf32>,
        tpu.vector_store_idx %run_scoped3A_3[%add3A_543, %broadcast_in_dim3A_69], %get3A_547 : memref<128x144xf32, #tpu.memory_space<vmem>>[vector<16xi32>, vector<16xi32>], vector<16xf32>,
        %add3A_548 = arith.constant 112 : i32
        %add3A_549 = vector.broadcast %add3A_548 : i32 to vector<16xi32>
        %add3A_550 = arith.addi %iota3A, %add3A_549 : vector<16xi32>
        %get3A_551 = arith.constant 3 : i32
        %get3A_552 = arith.index_cast %get3A_551 : i32 to index
        %get3A_553 = arith.constant 112 : index
        %get3A_554 = tpu.vector_load %run_scoped3A_1[%get3A_552, %get3A_553] {strides = array<i32>} : memref<8x128xf32, #tpu.memory_space<vmem>>, vector<16xf32>,
        tpu.vector_store_idx %run_scoped3A_3[%add3A_550, %broadcast_in_dim3A_69], %get3A_554 : memref<128x144xf32, #tpu.memory_space<vmem>>[vector<16xi32>, vector<16xi32>], vector<16xf32>,
        %dma_start3A_555 = arith.constant 3 : i32
        %dma_start3A_556 = arith.constant 0 : i32
        %dma_start3A_557 = tpu.memref_slice %run_scoped3A_0[%dma_start3A_555, %dma_start3A_556] : memref<8x128xi32, #tpu.memory_space<vmem>> -> memref<1x128xi32, #tpu.memory_space<vmem>>
        %dma_start3A_558 = tpu.memref_squeeze %dma_start3A_557 : memref<1x128xi32, #tpu.memory_space<vmem>> -> memref<128xi32, #tpu.memory_space<vmem>>
        %dma_start3A_559 = arith.constant 0 : i32
        %dma_start3A_560 = arith.constant 0 : i32
        %dma_start3A_561 = tpu.memref_slice %arg7[%dma_start3A_559, %dma_start3A_560] : memref<10016x144xf32, #tpu.memory_space<vmem_shared>> -> memref<10016x144xf32, #tpu.memory_space<vmem_shared>>
        tpu.enqueue_indirect_dma source(%run_scoped3A_3 : memref<128x144xf32, #tpu.memory_space<vmem>>) target(%dma_start3A_561 : memref<10016x144xf32, #tpu.memory_space<vmem_shared>>) offsets(%dma_start3A_558 : memref<128xi32, #tpu.memory_space<vmem>>) semaphore(%run_scoped3A_7 : memref<!tpu.dma_semaphore, #tpu.memory_space<semaphore_mem>>) {add = true}
        %dma_wait3A_562 = arith.constant 4 : i32
        %dma_wait3A_563 = arith.constant 0 : i32
        %dma_wait3A_564 = tpu.memref_slice %run_scoped3A[%dma_wait3A_562, %dma_wait3A_563] : memref<8x128xi32, #tpu.memory_space<vmem>> -> memref<1x128xi32, #tpu.memory_space<vmem>>
        %dma_wait3A_565 = tpu.memref_squeeze %dma_wait3A_564 : memref<1x128xi32, #tpu.memory_space<vmem>> -> memref<128xi32, #tpu.memory_space<vmem>>
        %dma_wait3A_566 = arith.constant 0 : i32
        %dma_wait3A_567 = arith.constant 0 : i32
        %dma_wait3A_568 = tpu.memref_slice %arg2[%dma_wait3A_566, %dma_wait3A_567] : memref<20000x144xf32, #tpu.memory_space<hbm>> -> memref<20000x144xf32, #tpu.memory_space<hbm>>
        tpu.wait_indirect_dma semaphore(%run_scoped3A_4 : memref<!tpu.dma_semaphore, #tpu.memory_space<semaphore_mem>>) src(%dma_wait3A_568 : memref<20000x144xf32, #tpu.memory_space<hbm>>) dst(%run_scoped3A_2 : memref<128x144xf32, #tpu.memory_space<vmem>>)
        %dma_wait3A_569 = arith.constant 3 : i32
        %dma_wait3A_570 = arith.constant 0 : i32
        %dma_wait3A_571 = tpu.memref_slice %run_scoped3A_0[%dma_wait3A_569, %dma_wait3A_570] : memref<8x128xi32, #tpu.memory_space<vmem>> -> memref<1x128xi32, #tpu.memory_space<vmem>>
        %dma_wait3A_572 = tpu.memref_squeeze %dma_wait3A_571 : memref<1x128xi32, #tpu.memory_space<vmem>> -> memref<128xi32, #tpu.memory_space<vmem>>
        %dma_wait3A_573 = arith.constant 0 : i32
        %dma_wait3A_574 = arith.constant 0 : i32
        %dma_wait3A_575 = tpu.memref_slice %arg7[%dma_wait3A_573, %dma_wait3A_574] : memref<10016x144xf32, #tpu.memory_space<vmem_shared>> -> memref<10016x144xf32, #tpu.memory_space<vmem_shared>>
        tpu.wait_indirect_dma semaphore(%run_scoped3A_7 : memref<!tpu.dma_semaphore, #tpu.memory_space<semaphore_mem>>) src(%run_scoped3A_3 : memref<128x144xf32, #tpu.memory_space<vmem>>) dst(%dma_wait3A_575 : memref<10016x144xf32, #tpu.memory_space<vmem_shared>>)
        %dma_start3A_576 = arith.constant 5 : i32
        %dma_start3A_577 = arith.constant 0 : i32
        %dma_start3A_578 = tpu.memref_slice %run_scoped3A[%dma_start3A_576, %dma_start3A_577] : memref<8x128xi32, #tpu.memory_space<vmem>> -> memref<1x128xi32, #tpu.memory_space<vmem>>
        %dma_start3A_579 = tpu.memref_squeeze %dma_start3A_578 : memref<1x128xi32, #tpu.memory_space<vmem>> -> memref<128xi32, #tpu.memory_space<vmem>>
        %dma_start3A_580 = arith.constant 0 : i32
        %dma_start3A_581 = arith.constant 0 : i32
        %dma_start3A_582 = tpu.memref_slice %arg2[%dma_start3A_580, %dma_start3A_581] : memref<20000x144xf32, #tpu.memory_space<hbm>> -> memref<20000x144xf32, #tpu.memory_space<hbm>>
        tpu.enqueue_indirect_dma source(%dma_start3A_582 : memref<20000x144xf32, #tpu.memory_space<hbm>>) target(%run_scoped3A_3 : memref<128x144xf32, #tpu.memory_space<vmem>>) offsets(%dma_start3A_579 : memref<128xi32, #tpu.memory_space<vmem>>) semaphore(%run_scoped3A_5 : memref<!tpu.dma_semaphore, #tpu.memory_space<semaphore_mem>>)
        %add3A_583 = arith.constant 0 : i32
        %add3A_584 = vector.broadcast %add3A_583 : i32 to vector<16xi32>
        %add3A_585 = arith.addi %iota3A, %add3A_584 : vector<16xi32>
        %get3A_586 = arith.constant 4 : i32
        %get3A_587 = arith.index_cast %get3A_586 : i32 to index
        %get3A_588 = arith.constant 0 : index
        %get3A_589 = tpu.vector_load %run_scoped3A_1[%get3A_587, %get3A_588] {strides = array<i32>} : memref<8x128xf32, #tpu.memory_space<vmem>>, vector<16xf32>,
        tpu.vector_store_idx %run_scoped3A_2[%add3A_585, %broadcast_in_dim3A_69], %get3A_589 : memref<128x144xf32, #tpu.memory_space<vmem>>[vector<16xi32>, vector<16xi32>], vector<16xf32>,
        %add3A_590 = arith.constant 16 : i32
        %add3A_591 = vector.broadcast %add3A_590 : i32 to vector<16xi32>
        %add3A_592 = arith.addi %iota3A, %add3A_591 : vector<16xi32>
        %get3A_593 = arith.constant 4 : i32
        %get3A_594 = arith.index_cast %get3A_593 : i32 to index
        %get3A_595 = arith.constant 16 : index
        %get3A_596 = tpu.vector_load %run_scoped3A_1[%get3A_594, %get3A_595] {strides = array<i32>} : memref<8x128xf32, #tpu.memory_space<vmem>>, vector<16xf32>,
        tpu.vector_store_idx %run_scoped3A_2[%add3A_592, %broadcast_in_dim3A_69], %get3A_596 : memref<128x144xf32, #tpu.memory_space<vmem>>[vector<16xi32>, vector<16xi32>], vector<16xf32>,
        %add3A_597 = arith.constant 32 : i32
        %add3A_598 = vector.broadcast %add3A_597 : i32 to vector<16xi32>
        %add3A_599 = arith.addi %iota3A, %add3A_598 : vector<16xi32>
        %get3A_600 = arith.constant 4 : i32
        %get3A_601 = arith.index_cast %get3A_600 : i32 to index
        %get3A_602 = arith.constant 32 : index
        %get3A_603 = tpu.vector_load %run_scoped3A_1[%get3A_601, %get3A_602] {strides = array<i32>} : memref<8x128xf32, #tpu.memory_space<vmem>>, vector<16xf32>,
        tpu.vector_store_idx %run_scoped3A_2[%add3A_599, %broadcast_in_dim3A_69], %get3A_603 : memref<128x144xf32, #tpu.memory_space<vmem>>[vector<16xi32>, vector<16xi32>], vector<16xf32>,
        %add3A_604 = arith.constant 48 : i32
        %add3A_605 = vector.broadcast %add3A_604 : i32 to vector<16xi32>
        %add3A_606 = arith.addi %iota3A, %add3A_605 : vector<16xi32>
        %get3A_607 = arith.constant 4 : i32
        %get3A_608 = arith.index_cast %get3A_607 : i32 to index
        %get3A_609 = arith.constant 48 : index
        %get3A_610 = tpu.vector_load %run_scoped3A_1[%get3A_608, %get3A_609] {strides = array<i32>} : memref<8x128xf32, #tpu.memory_space<vmem>>, vector<16xf32>,
        tpu.vector_store_idx %run_scoped3A_2[%add3A_606, %broadcast_in_dim3A_69], %get3A_610 : memref<128x144xf32, #tpu.memory_space<vmem>>[vector<16xi32>, vector<16xi32>], vector<16xf32>,
        %add3A_611 = arith.constant 64 : i32
        %add3A_612 = vector.broadcast %add3A_611 : i32 to vector<16xi32>
        %add3A_613 = arith.addi %iota3A, %add3A_612 : vector<16xi32>
        %get3A_614 = arith.constant 4 : i32
        %get3A_615 = arith.index_cast %get3A_614 : i32 to index
        %get3A_616 = arith.constant 64 : index
        %get3A_617 = tpu.vector_load %run_scoped3A_1[%get3A_615, %get3A_616] {strides = array<i32>} : memref<8x128xf32, #tpu.memory_space<vmem>>, vector<16xf32>,
        tpu.vector_store_idx %run_scoped3A_2[%add3A_613, %broadcast_in_dim3A_69], %get3A_617 : memref<128x144xf32, #tpu.memory_space<vmem>>[vector<16xi32>, vector<16xi32>], vector<16xf32>,
        %add3A_618 = arith.constant 80 : i32
        %add3A_619 = vector.broadcast %add3A_618 : i32 to vector<16xi32>
        %add3A_620 = arith.addi %iota3A, %add3A_619 : vector<16xi32>
        %get3A_621 = arith.constant 4 : i32
        %get3A_622 = arith.index_cast %get3A_621 : i32 to index
        %get3A_623 = arith.constant 80 : index
        %get3A_624 = tpu.vector_load %run_scoped3A_1[%get3A_622, %get3A_623] {strides = array<i32>} : memref<8x128xf32, #tpu.memory_space<vmem>>, vector<16xf32>,
        tpu.vector_store_idx %run_scoped3A_2[%add3A_620, %broadcast_in_dim3A_69], %get3A_624 : memref<128x144xf32, #tpu.memory_space<vmem>>[vector<16xi32>, vector<16xi32>], vector<16xf32>,
        %add3A_625 = arith.constant 96 : i32
        %add3A_626 = vector.broadcast %add3A_625 : i32 to vector<16xi32>
        %add3A_627 = arith.addi %iota3A, %add3A_626 : vector<16xi32>
        %get3A_628 = arith.constant 4 : i32
        %get3A_629 = arith.index_cast %get3A_628 : i32 to index
        %get3A_630 = arith.constant 96 : index
        %get3A_631 = tpu.vector_load %run_scoped3A_1[%get3A_629, %get3A_630] {strides = array<i32>} : memref<8x128xf32, #tpu.memory_space<vmem>>, vector<16xf32>,
        tpu.vector_store_idx %run_scoped3A_2[%add3A_627, %broadcast_in_dim3A_69], %get3A_631 : memref<128x144xf32, #tpu.memory_space<vmem>>[vector<16xi32>, vector<16xi32>], vector<16xf32>,
        %add3A_632 = arith.constant 112 : i32
        %add3A_633 = vector.broadcast %add3A_632 : i32 to vector<16xi32>
        %add3A_634 = arith.addi %iota3A, %add3A_633 : vector<16xi32>
        %get3A_635 = arith.constant 4 : i32
        %get3A_636 = arith.index_cast %get3A_635 : i32 to index
        %get3A_637 = arith.constant 112 : index
        %get3A_638 = tpu.vector_load %run_scoped3A_1[%get3A_636, %get3A_637] {strides = array<i32>} : memref<8x128xf32, #tpu.memory_space<vmem>>, vector<16xf32>,
        tpu.vector_store_idx %run_scoped3A_2[%add3A_634, %broadcast_in_dim3A_69], %get3A_638 : memref<128x144xf32, #tpu.memory_space<vmem>>[vector<16xi32>, vector<16xi32>], vector<16xf32>,
        %dma_start3A_639 = arith.constant 4 : i32
        %dma_start3A_640 = arith.constant 0 : i32
        %dma_start3A_641 = tpu.memref_slice %run_scoped3A_0[%dma_start3A_639, %dma_start3A_640] : memref<8x128xi32, #tpu.memory_space<vmem>> -> memref<1x128xi32, #tpu.memory_space<vmem>>
        %dma_start3A_642 = tpu.memref_squeeze %dma_start3A_641 : memref<1x128xi32, #tpu.memory_space<vmem>> -> memref<128xi32, #tpu.memory_space<vmem>>
        %dma_start3A_643 = arith.constant 0 : i32
        %dma_start3A_644 = arith.constant 0 : i32
        %dma_start3A_645 = tpu.memref_slice %arg7[%dma_start3A_643, %dma_start3A_644] : memref<10016x144xf32, #tpu.memory_space<vmem_shared>> -> memref<10016x144xf32, #tpu.memory_space<vmem_shared>>
        tpu.enqueue_indirect_dma source(%run_scoped3A_2 : memref<128x144xf32, #tpu.memory_space<vmem>>) target(%dma_start3A_645 : memref<10016x144xf32, #tpu.memory_space<vmem_shared>>) offsets(%dma_start3A_642 : memref<128xi32, #tpu.memory_space<vmem>>) semaphore(%run_scoped3A_6 : memref<!tpu.dma_semaphore, #tpu.memory_space<semaphore_mem>>) {add = true}
        %dma_wait3A_646 = arith.constant 5 : i32
        %dma_wait3A_647 = arith.constant 0 : i32
        %dma_wait3A_648 = tpu.memref_slice %run_scoped3A[%dma_wait3A_646, %dma_wait3A_647] : memref<8x128xi32, #tpu.memory_space<vmem>> -> memref<1x128xi32, #tpu.memory_space<vmem>>
        %dma_wait3A_649 = tpu.memref_squeeze %dma_wait3A_648 : memref<1x128xi32, #tpu.memory_space<vmem>> -> memref<128xi32, #tpu.memory_space<vmem>>
        %dma_wait3A_650 = arith.constant 0 : i32
        %dma_wait3A_651 = arith.constant 0 : i32
        %dma_wait3A_652 = tpu.memref_slice %arg2[%dma_wait3A_650, %dma_wait3A_651] : memref<20000x144xf32, #tpu.memory_space<hbm>> -> memref<20000x144xf32, #tpu.memory_space<hbm>>
        tpu.wait_indirect_dma semaphore(%run_scoped3A_5 : memref<!tpu.dma_semaphore, #tpu.memory_space<semaphore_mem>>) src(%dma_wait3A_652 : memref<20000x144xf32, #tpu.memory_space<hbm>>) dst(%run_scoped3A_3 : memref<128x144xf32, #tpu.memory_space<vmem>>)
        %dma_wait3A_653 = arith.constant 4 : i32
        %dma_wait3A_654 = arith.constant 0 : i32
        %dma_wait3A_655 = tpu.memref_slice %run_scoped3A_0[%dma_wait3A_653, %dma_wait3A_654] : memref<8x128xi32, #tpu.memory_space<vmem>> -> memref<1x128xi32, #tpu.memory_space<vmem>>
        %dma_wait3A_656 = tpu.memref_squeeze %dma_wait3A_655 : memref<1x128xi32, #tpu.memory_space<vmem>> -> memref<128xi32, #tpu.memory_space<vmem>>
        %dma_wait3A_657 = arith.constant 0 : i32
        %dma_wait3A_658 = arith.constant 0 : i32
        %dma_wait3A_659 = tpu.memref_slice %arg7[%dma_wait3A_657, %dma_wait3A_658] : memref<10016x144xf32, #tpu.memory_space<vmem_shared>> -> memref<10016x144xf32, #tpu.memory_space<vmem_shared>>
        tpu.wait_indirect_dma semaphore(%run_scoped3A_6 : memref<!tpu.dma_semaphore, #tpu.memory_space<semaphore_mem>>) src(%run_scoped3A_2 : memref<128x144xf32, #tpu.memory_space<vmem>>) dst(%dma_wait3A_659 : memref<10016x144xf32, #tpu.memory_space<vmem_shared>>)
        %dma_start3A_660 = arith.constant 6 : i32
        %dma_start3A_661 = arith.constant 0 : i32
        %dma_start3A_662 = tpu.memref_slice %run_scoped3A[%dma_start3A_660, %dma_start3A_661] : memref<8x128xi32, #tpu.memory_space<vmem>> -> memref<1x128xi32, #tpu.memory_space<vmem>>
        %dma_start3A_663 = tpu.memref_squeeze %dma_start3A_662 : memref<1x128xi32, #tpu.memory_space<vmem>> -> memref<128xi32, #tpu.memory_space<vmem>>
        %dma_start3A_664 = arith.constant 0 : i32
        %dma_start3A_665 = arith.constant 0 : i32
        %dma_start3A_666 = tpu.memref_slice %arg2[%dma_start3A_664, %dma_start3A_665] : memref<20000x144xf32, #tpu.memory_space<hbm>> -> memref<20000x144xf32, #tpu.memory_space<hbm>>
        tpu.enqueue_indirect_dma source(%dma_start3A_666 : memref<20000x144xf32, #tpu.memory_space<hbm>>) target(%run_scoped3A_2 : memref<128x144xf32, #tpu.memory_space<vmem>>) offsets(%dma_start3A_663 : memref<128xi32, #tpu.memory_space<vmem>>) semaphore(%run_scoped3A_4 : memref<!tpu.dma_semaphore, #tpu.memory_space<semaphore_mem>>)
        %add3A_667 = arith.constant 0 : i32
        %add3A_668 = vector.broadcast %add3A_667 : i32 to vector<16xi32>
        %add3A_669 = arith.addi %iota3A, %add3A_668 : vector<16xi32>
        %get3A_670 = arith.constant 5 : i32
        %get3A_671 = arith.index_cast %get3A_670 : i32 to index
        %get3A_672 = arith.constant 0 : index
        %get3A_673 = tpu.vector_load %run_scoped3A_1[%get3A_671, %get3A_672] {strides = array<i32>} : memref<8x128xf32, #tpu.memory_space<vmem>>, vector<16xf32>,
        tpu.vector_store_idx %run_scoped3A_3[%add3A_669, %broadcast_in_dim3A_69], %get3A_673 : memref<128x144xf32, #tpu.memory_space<vmem>>[vector<16xi32>, vector<16xi32>], vector<16xf32>,
        %add3A_674 = arith.constant 16 : i32
        %add3A_675 = vector.broadcast %add3A_674 : i32 to vector<16xi32>
        %add3A_676 = arith.addi %iota3A, %add3A_675 : vector<16xi32>
        %get3A_677 = arith.constant 5 : i32
        %get3A_678 = arith.index_cast %get3A_677 : i32 to index
        %get3A_679 = arith.constant 16 : index
        %get3A_680 = tpu.vector_load %run_scoped3A_1[%get3A_678, %get3A_679] {strides = array<i32>} : memref<8x128xf32, #tpu.memory_space<vmem>>, vector<16xf32>,
        tpu.vector_store_idx %run_scoped3A_3[%add3A_676, %broadcast_in_dim3A_69], %get3A_680 : memref<128x144xf32, #tpu.memory_space<vmem>>[vector<16xi32>, vector<16xi32>], vector<16xf32>,
        %add3A_681 = arith.constant 32 : i32
        %add3A_682 = vector.broadcast %add3A_681 : i32 to vector<16xi32>
        %add3A_683 = arith.addi %iota3A, %add3A_682 : vector<16xi32>
        %get3A_684 = arith.constant 5 : i32
        %get3A_685 = arith.index_cast %get3A_684 : i32 to index
        %get3A_686 = arith.constant 32 : index
        %get3A_687 = tpu.vector_load %run_scoped3A_1[%get3A_685, %get3A_686] {strides = array<i32>} : memref<8x128xf32, #tpu.memory_space<vmem>>, vector<16xf32>,
        tpu.vector_store_idx %run_scoped3A_3[%add3A_683, %broadcast_in_dim3A_69], %get3A_687 : memref<128x144xf32, #tpu.memory_space<vmem>>[vector<16xi32>, vector<16xi32>], vector<16xf32>,
        %add3A_688 = arith.constant 48 : i32
        %add3A_689 = vector.broadcast %add3A_688 : i32 to vector<16xi32>
        %add3A_690 = arith.addi %iota3A, %add3A_689 : vector<16xi32>
        %get3A_691 = arith.constant 5 : i32
        %get3A_692 = arith.index_cast %get3A_691 : i32 to index
        %get3A_693 = arith.constant 48 : index
        %get3A_694 = tpu.vector_load %run_scoped3A_1[%get3A_692, %get3A_693] {strides = array<i32>} : memref<8x128xf32, #tpu.memory_space<vmem>>, vector<16xf32>,
        tpu.vector_store_idx %run_scoped3A_3[%add3A_690, %broadcast_in_dim3A_69], %get3A_694 : memref<128x144xf32, #tpu.memory_space<vmem>>[vector<16xi32>, vector<16xi32>], vector<16xf32>,
        %add3A_695 = arith.constant 64 : i32
        %add3A_696 = vector.broadcast %add3A_695 : i32 to vector<16xi32>
        %add3A_697 = arith.addi %iota3A, %add3A_696 : vector<16xi32>
        %get3A_698 = arith.constant 5 : i32
        %get3A_699 = arith.index_cast %get3A_698 : i32 to index
        %get3A_700 = arith.constant 64 : index
        %get3A_701 = tpu.vector_load %run_scoped3A_1[%get3A_699, %get3A_700] {strides = array<i32>} : memref<8x128xf32, #tpu.memory_space<vmem>>, vector<16xf32>,
        tpu.vector_store_idx %run_scoped3A_3[%add3A_697, %broadcast_in_dim3A_69], %get3A_701 : memref<128x144xf32, #tpu.memory_space<vmem>>[vector<16xi32>, vector<16xi32>], vector<16xf32>,
        %add3A_702 = arith.constant 80 : i32
        %add3A_703 = vector.broadcast %add3A_702 : i32 to vector<16xi32>
        %add3A_704 = arith.addi %iota3A, %add3A_703 : vector<16xi32>
        %get3A_705 = arith.constant 5 : i32
        %get3A_706 = arith.index_cast %get3A_705 : i32 to index
        %get3A_707 = arith.constant 80 : index
        %get3A_708 = tpu.vector_load %run_scoped3A_1[%get3A_706, %get3A_707] {strides = array<i32>} : memref<8x128xf32, #tpu.memory_space<vmem>>, vector<16xf32>,
        tpu.vector_store_idx %run_scoped3A_3[%add3A_704, %broadcast_in_dim3A_69], %get3A_708 : memref<128x144xf32, #tpu.memory_space<vmem>>[vector<16xi32>, vector<16xi32>], vector<16xf32>,
        %add3A_709 = arith.constant 96 : i32
        %add3A_710 = vector.broadcast %add3A_709 : i32 to vector<16xi32>
        %add3A_711 = arith.addi %iota3A, %add3A_710 : vector<16xi32>
        %get3A_712 = arith.constant 5 : i32
        %get3A_713 = arith.index_cast %get3A_712 : i32 to index
        %get3A_714 = arith.constant 96 : index
        %get3A_715 = tpu.vector_load %run_scoped3A_1[%get3A_713, %get3A_714] {strides = array<i32>} : memref<8x128xf32, #tpu.memory_space<vmem>>, vector<16xf32>,
        tpu.vector_store_idx %run_scoped3A_3[%add3A_711, %broadcast_in_dim3A_69], %get3A_715 : memref<128x144xf32, #tpu.memory_space<vmem>>[vector<16xi32>, vector<16xi32>], vector<16xf32>,
        %add3A_716 = arith.constant 112 : i32
        %add3A_717 = vector.broadcast %add3A_716 : i32 to vector<16xi32>
        %add3A_718 = arith.addi %iota3A, %add3A_717 : vector<16xi32>
        %get3A_719 = arith.constant 5 : i32
        %get3A_720 = arith.index_cast %get3A_719 : i32 to index
        %get3A_721 = arith.constant 112 : index
        %get3A_722 = tpu.vector_load %run_scoped3A_1[%get3A_720, %get3A_721] {strides = array<i32>} : memref<8x128xf32, #tpu.memory_space<vmem>>, vector<16xf32>,
        tpu.vector_store_idx %run_scoped3A_3[%add3A_718, %broadcast_in_dim3A_69], %get3A_722 : memref<128x144xf32, #tpu.memory_space<vmem>>[vector<16xi32>, vector<16xi32>], vector<16xf32>,
        %dma_start3A_723 = arith.constant 5 : i32
        %dma_start3A_724 = arith.constant 0 : i32
        %dma_start3A_725 = tpu.memref_slice %run_scoped3A_0[%dma_start3A_723, %dma_start3A_724] : memref<8x128xi32, #tpu.memory_space<vmem>> -> memref<1x128xi32, #tpu.memory_space<vmem>>
        %dma_start3A_726 = tpu.memref_squeeze %dma_start3A_725 : memref<1x128xi32, #tpu.memory_space<vmem>> -> memref<128xi32, #tpu.memory_space<vmem>>
        %dma_start3A_727 = arith.constant 0 : i32
        %dma_start3A_728 = arith.constant 0 : i32
        %dma_start3A_729 = tpu.memref_slice %arg7[%dma_start3A_727, %dma_start3A_728] : memref<10016x144xf32, #tpu.memory_space<vmem_shared>> -> memref<10016x144xf32, #tpu.memory_space<vmem_shared>>
        tpu.enqueue_indirect_dma source(%run_scoped3A_3 : memref<128x144xf32, #tpu.memory_space<vmem>>) target(%dma_start3A_729 : memref<10016x144xf32, #tpu.memory_space<vmem_shared>>) offsets(%dma_start3A_726 : memref<128xi32, #tpu.memory_space<vmem>>) semaphore(%run_scoped3A_7 : memref<!tpu.dma_semaphore, #tpu.memory_space<semaphore_mem>>) {add = true}
        %dma_wait3A_730 = arith.constant 6 : i32
        %dma_wait3A_731 = arith.constant 0 : i32
        %dma_wait3A_732 = tpu.memref_slice %run_scoped3A[%dma_wait3A_730, %dma_wait3A_731] : memref<8x128xi32, #tpu.memory_space<vmem>> -> memref<1x128xi32, #tpu.memory_space<vmem>>
        %dma_wait3A_733 = tpu.memref_squeeze %dma_wait3A_732 : memref<1x128xi32, #tpu.memory_space<vmem>> -> memref<128xi32, #tpu.memory_space<vmem>>
        %dma_wait3A_734 = arith.constant 0 : i32
        %dma_wait3A_735 = arith.constant 0 : i32
        %dma_wait3A_736 = tpu.memref_slice %arg2[%dma_wait3A_734, %dma_wait3A_735] : memref<20000x144xf32, #tpu.memory_space<hbm>> -> memref<20000x144xf32, #tpu.memory_space<hbm>>
        tpu.wait_indirect_dma semaphore(%run_scoped3A_4 : memref<!tpu.dma_semaphore, #tpu.memory_space<semaphore_mem>>) src(%dma_wait3A_736 : memref<20000x144xf32, #tpu.memory_space<hbm>>) dst(%run_scoped3A_2 : memref<128x144xf32, #tpu.memory_space<vmem>>)
        %dma_wait3A_737 = arith.constant 5 : i32
        %dma_wait3A_738 = arith.constant 0 : i32
        %dma_wait3A_739 = tpu.memref_slice %run_scoped3A_0[%dma_wait3A_737, %dma_wait3A_738] : memref<8x128xi32, #tpu.memory_space<vmem>> -> memref<1x128xi32, #tpu.memory_space<vmem>>
        %dma_wait3A_740 = tpu.memref_squeeze %dma_wait3A_739 : memref<1x128xi32, #tpu.memory_space<vmem>> -> memref<128xi32, #tpu.memory_space<vmem>>
        %dma_wait3A_741 = arith.constant 0 : i32
        %dma_wait3A_742 = arith.constant 0 : i32
        %dma_wait3A_743 = tpu.memref_slice %arg7[%dma_wait3A_741, %dma_wait3A_742] : memref<10016x144xf32, #tpu.memory_space<vmem_shared>> -> memref<10016x144xf32, #tpu.memory_space<vmem_shared>>
        tpu.wait_indirect_dma semaphore(%run_scoped3A_7 : memref<!tpu.dma_semaphore, #tpu.memory_space<semaphore_mem>>) src(%run_scoped3A_3 : memref<128x144xf32, #tpu.memory_space<vmem>>) dst(%dma_wait3A_743 : memref<10016x144xf32, #tpu.memory_space<vmem_shared>>)
        %dma_start3A_744 = arith.constant 7 : i32
        %dma_start3A_745 = arith.constant 0 : i32
        %dma_start3A_746 = tpu.memref_slice %run_scoped3A[%dma_start3A_744, %dma_start3A_745] : memref<8x128xi32, #tpu.memory_space<vmem>> -> memref<1x128xi32, #tpu.memory_space<vmem>>
        %dma_start3A_747 = tpu.memref_squeeze %dma_start3A_746 : memref<1x128xi32, #tpu.memory_space<vmem>> -> memref<128xi32, #tpu.memory_space<vmem>>
        %dma_start3A_748 = arith.constant 0 : i32
        %dma_start3A_749 = arith.constant 0 : i32
        %dma_start3A_750 = tpu.memref_slice %arg2[%dma_start3A_748, %dma_start3A_749] : memref<20000x144xf32, #tpu.memory_space<hbm>> -> memref<20000x144xf32, #tpu.memory_space<hbm>>
        tpu.enqueue_indirect_dma source(%dma_start3A_750 : memref<20000x144xf32, #tpu.memory_space<hbm>>) target(%run_scoped3A_3 : memref<128x144xf32, #tpu.memory_space<vmem>>) offsets(%dma_start3A_747 : memref<128xi32, #tpu.memory_space<vmem>>) semaphore(%run_scoped3A_5 : memref<!tpu.dma_semaphore, #tpu.memory_space<semaphore_mem>>)
        %add3A_751 = arith.constant 0 : i32
        %add3A_752 = vector.broadcast %add3A_751 : i32 to vector<16xi32>
        %add3A_753 = arith.addi %iota3A, %add3A_752 : vector<16xi32>
        %get3A_754 = arith.constant 6 : i32
        %get3A_755 = arith.index_cast %get3A_754 : i32 to index
        %get3A_756 = arith.constant 0 : index
        %get3A_757 = tpu.vector_load %run_scoped3A_1[%get3A_755, %get3A_756] {strides = array<i32>} : memref<8x128xf32, #tpu.memory_space<vmem>>, vector<16xf32>,
        tpu.vector_store_idx %run_scoped3A_2[%add3A_753, %broadcast_in_dim3A_69], %get3A_757 : memref<128x144xf32, #tpu.memory_space<vmem>>[vector<16xi32>, vector<16xi32>], vector<16xf32>,
        %add3A_758 = arith.constant 16 : i32
        %add3A_759 = vector.broadcast %add3A_758 : i32 to vector<16xi32>
        %add3A_760 = arith.addi %iota3A, %add3A_759 : vector<16xi32>
        %get3A_761 = arith.constant 6 : i32
        %get3A_762 = arith.index_cast %get3A_761 : i32 to index
        %get3A_763 = arith.constant 16 : index
        %get3A_764 = tpu.vector_load %run_scoped3A_1[%get3A_762, %get3A_763] {strides = array<i32>} : memref<8x128xf32, #tpu.memory_space<vmem>>, vector<16xf32>,
        tpu.vector_store_idx %run_scoped3A_2[%add3A_760, %broadcast_in_dim3A_69], %get3A_764 : memref<128x144xf32, #tpu.memory_space<vmem>>[vector<16xi32>, vector<16xi32>], vector<16xf32>,
        %add3A_765 = arith.constant 32 : i32
        %add3A_766 = vector.broadcast %add3A_765 : i32 to vector<16xi32>
        %add3A_767 = arith.addi %iota3A, %add3A_766 : vector<16xi32>
        %get3A_768 = arith.constant 6 : i32
        %get3A_769 = arith.index_cast %get3A_768 : i32 to index
        %get3A_770 = arith.constant 32 : index
        %get3A_771 = tpu.vector_load %run_scoped3A_1[%get3A_769, %get3A_770] {strides = array<i32>} : memref<8x128xf32, #tpu.memory_space<vmem>>, vector<16xf32>,
        tpu.vector_store_idx %run_scoped3A_2[%add3A_767, %broadcast_in_dim3A_69], %get3A_771 : memref<128x144xf32, #tpu.memory_space<vmem>>[vector<16xi32>, vector<16xi32>], vector<16xf32>,
        %add3A_772 = arith.constant 48 : i32
        %add3A_773 = vector.broadcast %add3A_772 : i32 to vector<16xi32>
        %add3A_774 = arith.addi %iota3A, %add3A_773 : vector<16xi32>
        %get3A_775 = arith.constant 6 : i32
        %get3A_776 = arith.index_cast %get3A_775 : i32 to index
        %get3A_777 = arith.constant 48 : index
        %get3A_778 = tpu.vector_load %run_scoped3A_1[%get3A_776, %get3A_777] {strides = array<i32>} : memref<8x128xf32, #tpu.memory_space<vmem>>, vector<16xf32>,
        tpu.vector_store_idx %run_scoped3A_2[%add3A_774, %broadcast_in_dim3A_69], %get3A_778 : memref<128x144xf32, #tpu.memory_space<vmem>>[vector<16xi32>, vector<16xi32>], vector<16xf32>,
        %add3A_779 = arith.constant 64 : i32
        %add3A_780 = vector.broadcast %add3A_779 : i32 to vector<16xi32>
        %add3A_781 = arith.addi %iota3A, %add3A_780 : vector<16xi32>
        %get3A_782 = arith.constant 6 : i32
        %get3A_783 = arith.index_cast %get3A_782 : i32 to index
        %get3A_784 = arith.constant 64 : index
        %get3A_785 = tpu.vector_load %run_scoped3A_1[%get3A_783, %get3A_784] {strides = array<i32>} : memref<8x128xf32, #tpu.memory_space<vmem>>, vector<16xf32>,
        tpu.vector_store_idx %run_scoped3A_2[%add3A_781, %broadcast_in_dim3A_69], %get3A_785 : memref<128x144xf32, #tpu.memory_space<vmem>>[vector<16xi32>, vector<16xi32>], vector<16xf32>,
        %add3A_786 = arith.constant 80 : i32
        %add3A_787 = vector.broadcast %add3A_786 : i32 to vector<16xi32>
        %add3A_788 = arith.addi %iota3A, %add3A_787 : vector<16xi32>
        %get3A_789 = arith.constant 6 : i32
        %get3A_790 = arith.index_cast %get3A_789 : i32 to index
        %get3A_791 = arith.constant 80 : index
        %get3A_792 = tpu.vector_load %run_scoped3A_1[%get3A_790, %get3A_791] {strides = array<i32>} : memref<8x128xf32, #tpu.memory_space<vmem>>, vector<16xf32>,
        tpu.vector_store_idx %run_scoped3A_2[%add3A_788, %broadcast_in_dim3A_69], %get3A_792 : memref<128x144xf32, #tpu.memory_space<vmem>>[vector<16xi32>, vector<16xi32>], vector<16xf32>,
        %add3A_793 = arith.constant 96 : i32
        %add3A_794 = vector.broadcast %add3A_793 : i32 to vector<16xi32>
        %add3A_795 = arith.addi %iota3A, %add3A_794 : vector<16xi32>
        %get3A_796 = arith.constant 6 : i32
        %get3A_797 = arith.index_cast %get3A_796 : i32 to index
        %get3A_798 = arith.constant 96 : index
        %get3A_799 = tpu.vector_load %run_scoped3A_1[%get3A_797, %get3A_798] {strides = array<i32>} : memref<8x128xf32, #tpu.memory_space<vmem>>, vector<16xf32>,
        tpu.vector_store_idx %run_scoped3A_2[%add3A_795, %broadcast_in_dim3A_69], %get3A_799 : memref<128x144xf32, #tpu.memory_space<vmem>>[vector<16xi32>, vector<16xi32>], vector<16xf32>,
        %add3A_800 = arith.constant 112 : i32
        %add3A_801 = vector.broadcast %add3A_800 : i32 to vector<16xi32>
        %add3A_802 = arith.addi %iota3A, %add3A_801 : vector<16xi32>
        %get3A_803 = arith.constant 6 : i32
        %get3A_804 = arith.index_cast %get3A_803 : i32 to index
        %get3A_805 = arith.constant 112 : index
        %get3A_806 = tpu.vector_load %run_scoped3A_1[%get3A_804, %get3A_805] {strides = array<i32>} : memref<8x128xf32, #tpu.memory_space<vmem>>, vector<16xf32>,
        tpu.vector_store_idx %run_scoped3A_2[%add3A_802, %broadcast_in_dim3A_69], %get3A_806 : memref<128x144xf32, #tpu.memory_space<vmem>>[vector<16xi32>, vector<16xi32>], vector<16xf32>,
        %dma_start3A_807 = arith.constant 6 : i32
        %dma_start3A_808 = arith.constant 0 : i32
        %dma_start3A_809 = tpu.memref_slice %run_scoped3A_0[%dma_start3A_807, %dma_start3A_808] : memref<8x128xi32, #tpu.memory_space<vmem>> -> memref<1x128xi32, #tpu.memory_space<vmem>>
        %dma_start3A_810 = tpu.memref_squeeze %dma_start3A_809 : memref<1x128xi32, #tpu.memory_space<vmem>> -> memref<128xi32, #tpu.memory_space<vmem>>
        %dma_start3A_811 = arith.constant 0 : i32
        %dma_start3A_812 = arith.constant 0 : i32
        %dma_start3A_813 = tpu.memref_slice %arg7[%dma_start3A_811, %dma_start3A_812] : memref<10016x144xf32, #tpu.memory_space<vmem_shared>> -> memref<10016x144xf32, #tpu.memory_space<vmem_shared>>
        tpu.enqueue_indirect_dma source(%run_scoped3A_2 : memref<128x144xf32, #tpu.memory_space<vmem>>) target(%dma_start3A_813 : memref<10016x144xf32, #tpu.memory_space<vmem_shared>>) offsets(%dma_start3A_810 : memref<128xi32, #tpu.memory_space<vmem>>) semaphore(%run_scoped3A_6 : memref<!tpu.dma_semaphore, #tpu.memory_space<semaphore_mem>>) {add = true}
        %dma_wait3A_814 = arith.constant 7 : i32
        %dma_wait3A_815 = arith.constant 0 : i32
        %dma_wait3A_816 = tpu.memref_slice %run_scoped3A[%dma_wait3A_814, %dma_wait3A_815] : memref<8x128xi32, #tpu.memory_space<vmem>> -> memref<1x128xi32, #tpu.memory_space<vmem>>
        %dma_wait3A_817 = tpu.memref_squeeze %dma_wait3A_816 : memref<1x128xi32, #tpu.memory_space<vmem>> -> memref<128xi32, #tpu.memory_space<vmem>>
        %dma_wait3A_818 = arith.constant 0 : i32
        %dma_wait3A_819 = arith.constant 0 : i32
        %dma_wait3A_820 = tpu.memref_slice %arg2[%dma_wait3A_818, %dma_wait3A_819] : memref<20000x144xf32, #tpu.memory_space<hbm>> -> memref<20000x144xf32, #tpu.memory_space<hbm>>
        tpu.wait_indirect_dma semaphore(%run_scoped3A_5 : memref<!tpu.dma_semaphore, #tpu.memory_space<semaphore_mem>>) src(%dma_wait3A_820 : memref<20000x144xf32, #tpu.memory_space<hbm>>) dst(%run_scoped3A_3 : memref<128x144xf32, #tpu.memory_space<vmem>>)
        %add3A_821 = arith.constant 0 : i32
        %add3A_822 = vector.broadcast %add3A_821 : i32 to vector<16xi32>
        %add3A_823 = arith.addi %iota3A, %add3A_822 : vector<16xi32>
        %get3A_824 = arith.constant 7 : i32
        %get3A_825 = arith.index_cast %get3A_824 : i32 to index
        %get3A_826 = arith.constant 0 : index
        %get3A_827 = tpu.vector_load %run_scoped3A_1[%get3A_825, %get3A_826] {strides = array<i32>} : memref<8x128xf32, #tpu.memory_space<vmem>>, vector<16xf32>,
        tpu.vector_store_idx %run_scoped3A_3[%add3A_823, %broadcast_in_dim3A_69], %get3A_827 : memref<128x144xf32, #tpu.memory_space<vmem>>[vector<16xi32>, vector<16xi32>], vector<16xf32>,
        %add3A_828 = arith.constant 16 : i32
        %add3A_829 = vector.broadcast %add3A_828 : i32 to vector<16xi32>
        %add3A_830 = arith.addi %iota3A, %add3A_829 : vector<16xi32>
        %get3A_831 = arith.constant 7 : i32
        %get3A_832 = arith.index_cast %get3A_831 : i32 to index
        %get3A_833 = arith.constant 16 : index
        %get3A_834 = tpu.vector_load %run_scoped3A_1[%get3A_832, %get3A_833] {strides = array<i32>} : memref<8x128xf32, #tpu.memory_space<vmem>>, vector<16xf32>,
        tpu.vector_store_idx %run_scoped3A_3[%add3A_830, %broadcast_in_dim3A_69], %get3A_834 : memref<128x144xf32, #tpu.memory_space<vmem>>[vector<16xi32>, vector<16xi32>], vector<16xf32>,
        %add3A_835 = arith.constant 32 : i32
        %add3A_836 = vector.broadcast %add3A_835 : i32 to vector<16xi32>
        %add3A_837 = arith.addi %iota3A, %add3A_836 : vector<16xi32>
        %get3A_838 = arith.constant 7 : i32
        %get3A_839 = arith.index_cast %get3A_838 : i32 to index
        %get3A_840 = arith.constant 32 : index
        %get3A_841 = tpu.vector_load %run_scoped3A_1[%get3A_839, %get3A_840] {strides = array<i32>} : memref<8x128xf32, #tpu.memory_space<vmem>>, vector<16xf32>,
        tpu.vector_store_idx %run_scoped3A_3[%add3A_837, %broadcast_in_dim3A_69], %get3A_841 : memref<128x144xf32, #tpu.memory_space<vmem>>[vector<16xi32>, vector<16xi32>], vector<16xf32>,
        %add3A_842 = arith.constant 48 : i32
        %add3A_843 = vector.broadcast %add3A_842 : i32 to vector<16xi32>
        %add3A_844 = arith.addi %iota3A, %add3A_843 : vector<16xi32>
        %get3A_845 = arith.constant 7 : i32
        %get3A_846 = arith.index_cast %get3A_845 : i32 to index
        %get3A_847 = arith.constant 48 : index
        %get3A_848 = tpu.vector_load %run_scoped3A_1[%get3A_846, %get3A_847] {strides = array<i32>} : memref<8x128xf32, #tpu.memory_space<vmem>>, vector<16xf32>,
        tpu.vector_store_idx %run_scoped3A_3[%add3A_844, %broadcast_in_dim3A_69], %get3A_848 : memref<128x144xf32, #tpu.memory_space<vmem>>[vector<16xi32>, vector<16xi32>], vector<16xf32>,
        %add3A_849 = arith.constant 64 : i32
        %add3A_850 = vector.broadcast %add3A_849 : i32 to vector<16xi32>
        %add3A_851 = arith.addi %iota3A, %add3A_850 : vector<16xi32>
        %get3A_852 = arith.constant 7 : i32
        %get3A_853 = arith.index_cast %get3A_852 : i32 to index
        %get3A_854 = arith.constant 64 : index
        %get3A_855 = tpu.vector_load %run_scoped3A_1[%get3A_853, %get3A_854] {strides = array<i32>} : memref<8x128xf32, #tpu.memory_space<vmem>>, vector<16xf32>,
        tpu.vector_store_idx %run_scoped3A_3[%add3A_851, %broadcast_in_dim3A_69], %get3A_855 : memref<128x144xf32, #tpu.memory_space<vmem>>[vector<16xi32>, vector<16xi32>], vector<16xf32>,
        %add3A_856 = arith.constant 80 : i32
        %add3A_857 = vector.broadcast %add3A_856 : i32 to vector<16xi32>
        %add3A_858 = arith.addi %iota3A, %add3A_857 : vector<16xi32>
        %get3A_859 = arith.constant 7 : i32
        %get3A_860 = arith.index_cast %get3A_859 : i32 to index
        %get3A_861 = arith.constant 80 : index
        %get3A_862 = tpu.vector_load %run_scoped3A_1[%get3A_860, %get3A_861] {strides = array<i32>} : memref<8x128xf32, #tpu.memory_space<vmem>>, vector<16xf32>,
        tpu.vector_store_idx %run_scoped3A_3[%add3A_858, %broadcast_in_dim3A_69], %get3A_862 : memref<128x144xf32, #tpu.memory_space<vmem>>[vector<16xi32>, vector<16xi32>], vector<16xf32>,
        %add3A_863 = arith.constant 96 : i32
        %add3A_864 = vector.broadcast %add3A_863 : i32 to vector<16xi32>
        %add3A_865 = arith.addi %iota3A, %add3A_864 : vector<16xi32>
        %get3A_866 = arith.constant 7 : i32
        %get3A_867 = arith.index_cast %get3A_866 : i32 to index
        %get3A_868 = arith.constant 96 : index
        %get3A_869 = tpu.vector_load %run_scoped3A_1[%get3A_867, %get3A_868] {strides = array<i32>} : memref<8x128xf32, #tpu.memory_space<vmem>>, vector<16xf32>,
        tpu.vector_store_idx %run_scoped3A_3[%add3A_865, %broadcast_in_dim3A_69], %get3A_869 : memref<128x144xf32, #tpu.memory_space<vmem>>[vector<16xi32>, vector<16xi32>], vector<16xf32>,
        %add3A_870 = arith.constant 112 : i32
        %add3A_871 = vector.broadcast %add3A_870 : i32 to vector<16xi32>
        %add3A_872 = arith.addi %iota3A, %add3A_871 : vector<16xi32>
        %get3A_873 = arith.constant 7 : i32
        %get3A_874 = arith.index_cast %get3A_873 : i32 to index
        %get3A_875 = arith.constant 112 : index
        %get3A_876 = tpu.vector_load %run_scoped3A_1[%get3A_874, %get3A_875] {strides = array<i32>} : memref<8x128xf32, #tpu.memory_space<vmem>>, vector<16xf32>,
        tpu.vector_store_idx %run_scoped3A_3[%add3A_872, %broadcast_in_dim3A_69], %get3A_876 : memref<128x144xf32, #tpu.memory_space<vmem>>[vector<16xi32>, vector<16xi32>], vector<16xf32>,
        %mul3A_877 = arith.constant 8 : i32
        %mul3A_878 = arith.muli %min3A_213, %mul3A_877 : i32
        %add3A_879 = arith.addi %add3A, %mul3A_878 : i32
        %multiple_of3A_880 = tpu.assume_multiple %add3A_879, 8 : i32
        %dma_start3A_881 = arith.constant 0 : i32
        %dma_start3A_882 = tpu.memref_slice %arg3[%multiple_of3A_880, %dma_start3A_881] : memref<5120x128xi32, #tpu.memory_space<hbm>> -> memref<8x128xi32, #tpu.memory_space<hbm>>
        %dma_start3A_883 = arith.constant 0 : i32
        %dma_start3A_884 = tpu.memref_slice %arg3[%multiple_of3A_880, %dma_start3A_883] : memref<5120x128xi32, #tpu.memory_space<hbm>> -> memref<8x128xi32, #tpu.memory_space<hbm>>
        tpu.enqueue_dma source(%dma_start3A_884 : memref<8x128xi32, #tpu.memory_space<hbm>>) target(%run_scoped3A : memref<8x128xi32, #tpu.memory_space<vmem>>) target_semaphore(%run_scoped3A_8 : memref<!tpu.dma_semaphore, #tpu.memory_space<semaphore_mem>>)
        %mul3A_885 = arith.constant 8 : i32
        %mul3A_886 = arith.muli %min3A_213, %mul3A_885 : i32
        %add3A_887 = arith.addi %add3A, %mul3A_886 : i32
        %multiple_of3A_888 = tpu.assume_multiple %add3A_887, 8 : i32
        %dma_start3A_889 = arith.constant 0 : i32
        %dma_start3A_890 = tpu.memref_slice %arg5[%multiple_of3A_888, %dma_start3A_889] : memref<5120x128xf32, #tpu.memory_space<hbm>> -> memref<8x128xf32, #tpu.memory_space<hbm>>
        %dma_start3A_891 = arith.constant 0 : i32
        %dma_start3A_892 = tpu.memref_slice %arg5[%multiple_of3A_888, %dma_start3A_891] : memref<5120x128xf32, #tpu.memory_space<hbm>> -> memref<8x128xf32, #tpu.memory_space<hbm>>
        tpu.enqueue_dma source(%dma_start3A_892 : memref<8x128xf32, #tpu.memory_space<hbm>>) target(%run_scoped3A_1 : memref<8x128xf32, #tpu.memory_space<vmem>>) target_semaphore(%run_scoped3A_8 : memref<!tpu.dma_semaphore, #tpu.memory_space<semaphore_mem>>)
        %dma_start3A_893 = arith.constant 7 : i32
        %dma_start3A_894 = arith.constant 0 : i32
        %dma_start3A_895 = tpu.memref_slice %run_scoped3A_0[%dma_start3A_893, %dma_start3A_894] : memref<8x128xi32, #tpu.memory_space<vmem>> -> memref<1x128xi32, #tpu.memory_space<vmem>>
        %dma_start3A_896 = tpu.memref_squeeze %dma_start3A_895 : memref<1x128xi32, #tpu.memory_space<vmem>> -> memref<128xi32, #tpu.memory_space<vmem>>
        %dma_start3A_897 = arith.constant 0 : i32
        %dma_start3A_898 = arith.constant 0 : i32
        %dma_start3A_899 = tpu.memref_slice %arg7[%dma_start3A_897, %dma_start3A_898] : memref<10016x144xf32, #tpu.memory_space<vmem_shared>> -> memref<10016x144xf32, #tpu.memory_space<vmem_shared>>
        tpu.enqueue_indirect_dma source(%run_scoped3A_3 : memref<128x144xf32, #tpu.memory_space<vmem>>) target(%dma_start3A_899 : memref<10016x144xf32, #tpu.memory_space<vmem_shared>>) offsets(%dma_start3A_896 : memref<128xi32, #tpu.memory_space<vmem>>) semaphore(%run_scoped3A_7 : memref<!tpu.dma_semaphore, #tpu.memory_space<semaphore_mem>>) {add = true}
        %dma_wait3A_900 = arith.constant 6 : i32
        %dma_wait3A_901 = arith.constant 0 : i32
        %dma_wait3A_902 = tpu.memref_slice %run_scoped3A_0[%dma_wait3A_900, %dma_wait3A_901] : memref<8x128xi32, #tpu.memory_space<vmem>> -> memref<1x128xi32, #tpu.memory_space<vmem>>
        %dma_wait3A_903 = tpu.memref_squeeze %dma_wait3A_902 : memref<1x128xi32, #tpu.memory_space<vmem>> -> memref<128xi32, #tpu.memory_space<vmem>>
        %dma_wait3A_904 = arith.constant 0 : i32
        %dma_wait3A_905 = arith.constant 0 : i32
        %dma_wait3A_906 = tpu.memref_slice %arg7[%dma_wait3A_904, %dma_wait3A_905] : memref<10016x144xf32, #tpu.memory_space<vmem_shared>> -> memref<10016x144xf32, #tpu.memory_space<vmem_shared>>
        tpu.wait_indirect_dma semaphore(%run_scoped3A_6 : memref<!tpu.dma_semaphore, #tpu.memory_space<semaphore_mem>>) src(%run_scoped3A_2 : memref<128x144xf32, #tpu.memory_space<vmem>>) dst(%dma_wait3A_906 : memref<10016x144xf32, #tpu.memory_space<vmem_shared>>)
        %dma_wait3A_907 = arith.constant 7 : i32
        %dma_wait3A_908 = arith.constant 0 : i32
        %dma_wait3A_909 = tpu.memref_slice %run_scoped3A_0[%dma_wait3A_907, %dma_wait3A_908] : memref<8x128xi32, #tpu.memory_space<vmem>> -> memref<1x128xi32, #tpu.memory_space<vmem>>
        %dma_wait3A_910 = tpu.memref_squeeze %dma_wait3A_909 : memref<1x128xi32, #tpu.memory_space<vmem>> -> memref<128xi32, #tpu.memory_space<vmem>>
        %dma_wait3A_911 = arith.constant 0 : i32
        %dma_wait3A_912 = arith.constant 0 : i32
        %dma_wait3A_913 = tpu.memref_slice %arg7[%dma_wait3A_911, %dma_wait3A_912] : memref<10016x144xf32, #tpu.memory_space<vmem_shared>> -> memref<10016x144xf32, #tpu.memory_space<vmem_shared>>
        tpu.wait_indirect_dma semaphore(%run_scoped3A_7 : memref<!tpu.dma_semaphore, #tpu.memory_space<semaphore_mem>>) src(%run_scoped3A_3 : memref<128x144xf32, #tpu.memory_space<vmem>>) dst(%dma_wait3A_913 : memref<10016x144xf32, #tpu.memory_space<vmem_shared>>)
        %mul3A_914 = arith.constant 8 : i32
        %mul3A_915 = arith.muli %min3A_213, %mul3A_914 : i32
        %add3A_916 = arith.addi %add3A, %mul3A_915 : i32
        %multiple_of3A_917 = tpu.assume_multiple %add3A_916, 8 : i32
        %dma_start3A_918 = arith.constant 0 : i32
        %dma_start3A_919 = tpu.memref_slice %arg4[%multiple_of3A_917, %dma_start3A_918] : memref<5120x128xi32, #tpu.memory_space<hbm>> -> memref<8x128xi32, #tpu.memory_space<hbm>>
        %dma_start3A_920 = arith.constant 0 : i32
        %dma_start3A_921 = tpu.memref_slice %arg4[%multiple_of3A_917, %dma_start3A_920] : memref<5120x128xi32, #tpu.memory_space<hbm>> -> memref<8x128xi32, #tpu.memory_space<hbm>>
        tpu.enqueue_dma source(%dma_start3A_921 : memref<8x128xi32, #tpu.memory_space<hbm>>) target(%run_scoped3A_0 : memref<8x128xi32, #tpu.memory_space<vmem>>) target_semaphore(%run_scoped3A_8 : memref<!tpu.dma_semaphore, #tpu.memory_space<semaphore_mem>>)
      }
      %scan3A_95 = arith.constant 20 : i32
      %multiple_of3A_96 = tpu.assume_multiple %add3A, 8 : i32
      %dma_wait3A_97 = arith.constant 0 : i32
      %dma_wait3A_98 = tpu.memref_slice %arg3[%multiple_of3A_96, %dma_wait3A_97] : memref<5120x128xi32, #tpu.memory_space<hbm>> -> memref<8x128xi32, #tpu.memory_space<hbm>>
      %dma_wait3A_99 = arith.constant 0 : i32
      %dma_wait3A_100 = tpu.memref_slice %arg3[%multiple_of3A_96, %dma_wait3A_99] : memref<5120x128xi32, #tpu.memory_space<hbm>> -> memref<8x128xi32, #tpu.memory_space<hbm>>
      tpu.wait_dma2 semaphore(%run_scoped3A_8 : memref<!tpu.dma_semaphore, #tpu.memory_space<semaphore_mem>>) src(%dma_wait3A_100 : memref<8x128xi32, #tpu.memory_space<hbm>>) dst(%run_scoped3A : memref<8x128xi32, #tpu.memory_space<vmem>>)
      %dma_wait3A_101 = arith.constant 0 : i32
      %dma_wait3A_102 = tpu.memref_slice %arg5[%multiple_of3A_96, %dma_wait3A_101] : memref<5120x128xf32, #tpu.memory_space<hbm>> -> memref<8x128xf32, #tpu.memory_space<hbm>>
      %dma_wait3A_103 = arith.constant 0 : i32
      %dma_wait3A_104 = tpu.memref_slice %arg5[%multiple_of3A_96, %dma_wait3A_103] : memref<5120x128xf32, #tpu.memory_space<hbm>> -> memref<8x128xf32, #tpu.memory_space<hbm>>
      tpu.wait_dma2 semaphore(%run_scoped3A_8 : memref<!tpu.dma_semaphore, #tpu.memory_space<semaphore_mem>>) src(%dma_wait3A_104 : memref<8x128xf32, #tpu.memory_space<hbm>>) dst(%run_scoped3A_1 : memref<8x128xf32, #tpu.memory_space<vmem>>)
      %dma_wait3A_105 = arith.constant 0 : i32
      %dma_wait3A_106 = tpu.memref_slice %arg4[%multiple_of3A_96, %dma_wait3A_105] : memref<5120x128xi32, #tpu.memory_space<hbm>> -> memref<8x128xi32, #tpu.memory_space<hbm>>
      %dma_wait3A_107 = arith.constant 0 : i32
      %dma_wait3A_108 = tpu.memref_slice %arg4[%multiple_of3A_96, %dma_wait3A_107] : memref<5120x128xi32, #tpu.memory_space<hbm>> -> memref<8x128xi32, #tpu.memory_space<hbm>>
      tpu.wait_dma2 semaphore(%run_scoped3A_8 : memref<!tpu.dma_semaphore, #tpu.memory_space<semaphore_mem>>) src(%dma_wait3A_108 : memref<8x128xi32, #tpu.memory_space<hbm>>) dst(%run_scoped3A_0 : memref<8x128xi32, #tpu.memory_space<vmem>>)
      %barrier3A_109 = arith.constant 0 : index
      tpu.barrier barrier_id(%barrier3A_109)
      %add3A_110 = arith.constant 0 : i32
      %add3A_111 = arith.addi %mul3A_19, %add3A_110 : i32
      %add3A_112 = arith.constant 0 : i32
      %add3A_113 = arith.addi %mul3A_19, %add3A_112 : i32
      %dma_start3A_114 = arith.constant 0 : i32
      %dma_start3A_115 = arith.constant 0 : i32
      %dma_start3A_116 = tpu.memref_slice %arg6[%arg0, %dma_start3A_114, %dma_start3A_115] : memref<2x10000x144xf32, #tpu.memory_space<hbm>> -> memref<1x10000x144xf32, #tpu.memory_space<hbm>>
      %dma_start3A_117 = tpu.memref_squeeze %dma_start3A_116 : memref<1x10000x144xf32, #tpu.memory_space<hbm>> -> memref<10000x144xf32, #tpu.memory_space<hbm>>
      %dma_start3A_118 = arith.constant 0 : i32
      %dma_start3A_119 = tpu.memref_slice %dma_start3A_117[%add3A_113, %dma_start3A_118] : memref<10000x144xf32, #tpu.memory_space<hbm>> -> memref<128x144xf32, #tpu.memory_space<hbm>>
      %dma_start3A_120 = arith.constant 0 : i32
      %dma_start3A_121 = tpu.memref_slice %arg7[%add3A_111, %dma_start3A_120] : memref<10016x144xf32, #tpu.memory_space<vmem_shared>> -> memref<128x144xf32, #tpu.memory_space<vmem_shared>>
      tpu.enqueue_dma source(%dma_start3A_121 : memref<128x144xf32, #tpu.memory_space<vmem_shared>>) target(%dma_start3A_119 : memref<128x144xf32, #tpu.memory_space<hbm>>) target_semaphore(%run_scoped3A_4 : memref<!tpu.dma_semaphore, #tpu.memory_space<semaphore_mem>>)
      %add3A_122 = arith.constant 128 : i32
      %add3A_123 = arith.addi %mul3A_19, %add3A_122 : i32
      %add3A_124 = arith.constant 128 : i32
      %add3A_125 = arith.addi %mul3A_19, %add3A_124 : i32
      %dma_start3A_126 = arith.constant 0 : i32
      %dma_start3A_127 = arith.constant 0 : i32
      %dma_start3A_128 = tpu.memref_slice %arg6[%arg0, %dma_start3A_126, %dma_start3A_127] : memref<2x10000x144xf32, #tpu.memory_space<hbm>> -> memref<1x10000x144xf32, #tpu.memory_space<hbm>>
      %dma_start3A_129 = tpu.memref_squeeze %dma_start3A_128 : memref<1x10000x144xf32, #tpu.memory_space<hbm>> -> memref<10000x144xf32, #tpu.memory_space<hbm>>
      %dma_start3A_130 = arith.constant 0 : i32
      %dma_start3A_131 = tpu.memref_slice %dma_start3A_129[%add3A_125, %dma_start3A_130] : memref<10000x144xf32, #tpu.memory_space<hbm>> -> memref<128x144xf32, #tpu.memory_space<hbm>>
      %dma_start3A_132 = arith.constant 0 : i32
      %dma_start3A_133 = tpu.memref_slice %arg7[%add3A_123, %dma_start3A_132] : memref<10016x144xf32, #tpu.memory_space<vmem_shared>> -> memref<128x144xf32, #tpu.memory_space<vmem_shared>>
      tpu.enqueue_dma source(%dma_start3A_133 : memref<128x144xf32, #tpu.memory_space<vmem_shared>>) target(%dma_start3A_131 : memref<128x144xf32, #tpu.memory_space<hbm>>) target_semaphore(%run_scoped3A_5 : memref<!tpu.dma_semaphore, #tpu.memory_space<semaphore_mem>>)
      %add3A_134 = arith.constant 256 : i32
      %add3A_135 = arith.addi %mul3A_19, %add3A_134 : i32
      %add3A_136 = arith.constant 256 : i32
      %add3A_137 = arith.addi %mul3A_19, %add3A_136 : i32
      %dma_start3A_138 = arith.constant 0 : i32
      %dma_start3A_139 = arith.constant 0 : i32
      %dma_start3A_140 = tpu.memref_slice %arg6[%arg0, %dma_start3A_138, %dma_start3A_139] : memref<2x10000x144xf32, #tpu.memory_space<hbm>> -> memref<1x10000x144xf32, #tpu.memory_space<hbm>>
      %dma_start3A_141 = tpu.memref_squeeze %dma_start3A_140 : memref<1x10000x144xf32, #tpu.memory_space<hbm>> -> memref<10000x144xf32, #tpu.memory_space<hbm>>
      %dma_start3A_142 = arith.constant 0 : i32
      %dma_start3A_143 = tpu.memref_slice %dma_start3A_141[%add3A_137, %dma_start3A_142] : memref<10000x144xf32, #tpu.memory_space<hbm>> -> memref<128x144xf32, #tpu.memory_space<hbm>>
      %dma_start3A_144 = arith.constant 0 : i32
      %dma_start3A_145 = tpu.memref_slice %arg7[%add3A_135, %dma_start3A_144] : memref<10016x144xf32, #tpu.memory_space<vmem_shared>> -> memref<128x144xf32, #tpu.memory_space<vmem_shared>>
      tpu.enqueue_dma source(%dma_start3A_145 : memref<128x144xf32, #tpu.memory_space<vmem_shared>>) target(%dma_start3A_143 : memref<128x144xf32, #tpu.memory_space<hbm>>) target_semaphore(%run_scoped3A_6 : memref<!tpu.dma_semaphore, #tpu.memory_space<semaphore_mem>>)
      %add3A_146 = arith.constant 384 : i32
      %add3A_147 = arith.addi %mul3A_19, %add3A_146 : i32
      %add3A_148 = arith.constant 384 : i32
      %add3A_149 = arith.addi %mul3A_19, %add3A_148 : i32
      %dma_start3A_150 = arith.constant 0 : i32
      %dma_start3A_151 = arith.constant 0 : i32
      %dma_start3A_152 = tpu.memref_slice %arg6[%arg0, %dma_start3A_150, %dma_start3A_151] : memref<2x10000x144xf32, #tpu.memory_space<hbm>> -> memref<1x10000x144xf32, #tpu.memory_space<hbm>>
      %dma_start3A_153 = tpu.memref_squeeze %dma_start3A_152 : memref<1x10000x144xf32, #tpu.memory_space<hbm>> -> memref<10000x144xf32, #tpu.memory_space<hbm>>
      %dma_start3A_154 = arith.constant 0 : i32
      %dma_start3A_155 = tpu.memref_slice %dma_start3A_153[%add3A_149, %dma_start3A_154] : memref<10000x144xf32, #tpu.memory_space<hbm>> -> memref<128x144xf32, #tpu.memory_space<hbm>>
      %dma_start3A_156 = arith.constant 0 : i32
      %dma_start3A_157 = tpu.memref_slice %arg7[%add3A_147, %dma_start3A_156] : memref<10016x144xf32, #tpu.memory_space<vmem_shared>> -> memref<128x144xf32, #tpu.memory_space<vmem_shared>>
      tpu.enqueue_dma source(%dma_start3A_157 : memref<128x144xf32, #tpu.memory_space<vmem_shared>>) target(%dma_start3A_155 : memref<128x144xf32, #tpu.memory_space<hbm>>) target_semaphore(%run_scoped3A_7 : memref<!tpu.dma_semaphore, #tpu.memory_space<semaphore_mem>>)
      %add3A_158 = arith.constant 512 : i32
      %add3A_159 = arith.addi %mul3A_19, %add3A_158 : i32
      %add3A_160 = arith.constant 512 : i32
      %add3A_161 = arith.addi %mul3A_19, %add3A_160 : i32
      %dma_start3A_162 = arith.constant 0 : i32
      %dma_start3A_163 = arith.constant 0 : i32
      %dma_start3A_164 = tpu.memref_slice %arg6[%arg0, %dma_start3A_162, %dma_start3A_163] : memref<2x10000x144xf32, #tpu.memory_space<hbm>> -> memref<1x10000x144xf32, #tpu.memory_space<hbm>>
      %dma_start3A_165 = tpu.memref_squeeze %dma_start3A_164 : memref<1x10000x144xf32, #tpu.memory_space<hbm>> -> memref<10000x144xf32, #tpu.memory_space<hbm>>
      %dma_start3A_166 = arith.constant 0 : i32
      %dma_start3A_167 = tpu.memref_slice %dma_start3A_165[%add3A_161, %dma_start3A_166] : memref<10000x144xf32, #tpu.memory_space<hbm>> -> memref<128x144xf32, #tpu.memory_space<hbm>>
      %dma_start3A_168 = arith.constant 0 : i32
      %dma_start3A_169 = tpu.memref_slice %arg7[%add3A_159, %dma_start3A_168] : memref<10016x144xf32, #tpu.memory_space<vmem_shared>> -> memref<128x144xf32, #tpu.memory_space<vmem_shared>>
      tpu.enqueue_dma source(%dma_start3A_169 : memref<128x144xf32, #tpu.memory_space<vmem_shared>>) target(%dma_start3A_167 : memref<128x144xf32, #tpu.memory_space<hbm>>) target_semaphore(%run_scoped3A_8 : memref<!tpu.dma_semaphore, #tpu.memory_space<semaphore_mem>>)
      %dma_wait3A_170 = arith.constant 0 : i32
      %dma_wait3A_171 = arith.constant 0 : i32
      %dma_wait3A_172 = tpu.memref_slice %arg6[%arg0, %dma_wait3A_170, %dma_wait3A_171] : memref<2x10000x144xf32, #tpu.memory_space<hbm>> -> memref<1x10000x144xf32, #tpu.memory_space<hbm>>
      %dma_wait3A_173 = tpu.memref_squeeze %dma_wait3A_172 : memref<1x10000x144xf32, #tpu.memory_space<hbm>> -> memref<10000x144xf32, #tpu.memory_space<hbm>>
      %dma_wait3A_174 = arith.constant 0 : i32
      %dma_wait3A_175 = tpu.memref_slice %dma_wait3A_173[%add3A_113, %dma_wait3A_174] : memref<10000x144xf32, #tpu.memory_space<hbm>> -> memref<128x144xf32, #tpu.memory_space<hbm>>
      %dma_wait3A_176 = arith.constant 0 : i32
      %dma_wait3A_177 = tpu.memref_slice %arg7[%add3A_111, %dma_wait3A_176] : memref<10016x144xf32, #tpu.memory_space<vmem_shared>> -> memref<128x144xf32, #tpu.memory_space<vmem_shared>>
      tpu.wait_dma2 semaphore(%run_scoped3A_4 : memref<!tpu.dma_semaphore, #tpu.memory_space<semaphore_mem>>) src(%dma_wait3A_177 : memref<128x144xf32, #tpu.memory_space<vmem_shared>>) dst(%dma_wait3A_175 : memref<128x144xf32, #tpu.memory_space<hbm>>)
      %dma_wait3A_178 = arith.constant 0 : i32
      %dma_wait3A_179 = arith.constant 0 : i32
      %dma_wait3A_180 = tpu.memref_slice %arg6[%arg0, %dma_wait3A_178, %dma_wait3A_179] : memref<2x10000x144xf32, #tpu.memory_space<hbm>> -> memref<1x10000x144xf32, #tpu.memory_space<hbm>>
      %dma_wait3A_181 = tpu.memref_squeeze %dma_wait3A_180 : memref<1x10000x144xf32, #tpu.memory_space<hbm>> -> memref<10000x144xf32, #tpu.memory_space<hbm>>
      %dma_wait3A_182 = arith.constant 0 : i32
      %dma_wait3A_183 = tpu.memref_slice %dma_wait3A_181[%add3A_125, %dma_wait3A_182] : memref<10000x144xf32, #tpu.memory_space<hbm>> -> memref<128x144xf32, #tpu.memory_space<hbm>>
      %dma_wait3A_184 = arith.constant 0 : i32
      %dma_wait3A_185 = tpu.memref_slice %arg7[%add3A_123, %dma_wait3A_184] : memref<10016x144xf32, #tpu.memory_space<vmem_shared>> -> memref<128x144xf32, #tpu.memory_space<vmem_shared>>
      tpu.wait_dma2 semaphore(%run_scoped3A_5 : memref<!tpu.dma_semaphore, #tpu.memory_space<semaphore_mem>>) src(%dma_wait3A_185 : memref<128x144xf32, #tpu.memory_space<vmem_shared>>) dst(%dma_wait3A_183 : memref<128x144xf32, #tpu.memory_space<hbm>>)
      %dma_wait3A_186 = arith.constant 0 : i32
      %dma_wait3A_187 = arith.constant 0 : i32
      %dma_wait3A_188 = tpu.memref_slice %arg6[%arg0, %dma_wait3A_186, %dma_wait3A_187] : memref<2x10000x144xf32, #tpu.memory_space<hbm>> -> memref<1x10000x144xf32, #tpu.memory_space<hbm>>
      %dma_wait3A_189 = tpu.memref_squeeze %dma_wait3A_188 : memref<1x10000x144xf32, #tpu.memory_space<hbm>> -> memref<10000x144xf32, #tpu.memory_space<hbm>>
      %dma_wait3A_190 = arith.constant 0 : i32
      %dma_wait3A_191 = tpu.memref_slice %dma_wait3A_189[%add3A_137, %dma_wait3A_190] : memref<10000x144xf32, #tpu.memory_space<hbm>> -> memref<128x144xf32, #tpu.memory_space<hbm>>
      %dma_wait3A_192 = arith.constant 0 : i32
      %dma_wait3A_193 = tpu.memref_slice %arg7[%add3A_135, %dma_wait3A_192] : memref<10016x144xf32, #tpu.memory_space<vmem_shared>> -> memref<128x144xf32, #tpu.memory_space<vmem_shared>>
      tpu.wait_dma2 semaphore(%run_scoped3A_6 : memref<!tpu.dma_semaphore, #tpu.memory_space<semaphore_mem>>) src(%dma_wait3A_193 : memref<128x144xf32, #tpu.memory_space<vmem_shared>>) dst(%dma_wait3A_191 : memref<128x144xf32, #tpu.memory_space<hbm>>)
      %dma_wait3A_194 = arith.constant 0 : i32
      %dma_wait3A_195 = arith.constant 0 : i32
      %dma_wait3A_196 = tpu.memref_slice %arg6[%arg0, %dma_wait3A_194, %dma_wait3A_195] : memref<2x10000x144xf32, #tpu.memory_space<hbm>> -> memref<1x10000x144xf32, #tpu.memory_space<hbm>>
      %dma_wait3A_197 = tpu.memref_squeeze %dma_wait3A_196 : memref<1x10000x144xf32, #tpu.memory_space<hbm>> -> memref<10000x144xf32, #tpu.memory_space<hbm>>
      %dma_wait3A_198 = arith.constant 0 : i32
      %dma_wait3A_199 = tpu.memref_slice %dma_wait3A_197[%add3A_149, %dma_wait3A_198] : memref<10000x144xf32, #tpu.memory_space<hbm>> -> memref<128x144xf32, #tpu.memory_space<hbm>>
      %dma_wait3A_200 = arith.constant 0 : i32
      %dma_wait3A_201 = tpu.memref_slice %arg7[%add3A_147, %dma_wait3A_200] : memref<10016x144xf32, #tpu.memory_space<vmem_shared>> -> memref<128x144xf32, #tpu.memory_space<vmem_shared>>
      tpu.wait_dma2 semaphore(%run_scoped3A_7 : memref<!tpu.dma_semaphore, #tpu.memory_space<semaphore_mem>>) src(%dma_wait3A_201 : memref<128x144xf32, #tpu.memory_space<vmem_shared>>) dst(%dma_wait3A_199 : memref<128x144xf32, #tpu.memory_space<hbm>>)
      %dma_wait3A_202 = arith.constant 0 : i32
      %dma_wait3A_203 = arith.constant 0 : i32
      %dma_wait3A_204 = tpu.memref_slice %arg6[%arg0, %dma_wait3A_202, %dma_wait3A_203] : memref<2x10000x144xf32, #tpu.memory_space<hbm>> -> memref<1x10000x144xf32, #tpu.memory_space<hbm>>
      %dma_wait3A_205 = tpu.memref_squeeze %dma_wait3A_204 : memref<1x10000x144xf32, #tpu.memory_space<hbm>> -> memref<10000x144xf32, #tpu.memory_space<hbm>>
      %dma_wait3A_206 = arith.constant 0 : i32
      %dma_wait3A_207 = tpu.memref_slice %dma_wait3A_205[%add3A_161, %dma_wait3A_206] : memref<10000x144xf32, #tpu.memory_space<hbm>> -> memref<128x144xf32, #tpu.memory_space<hbm>>
      %dma_wait3A_208 = arith.constant 0 : i32
      %dma_wait3A_209 = tpu.memref_slice %arg7[%add3A_159, %dma_wait3A_208] : memref<10016x144xf32, #tpu.memory_space<vmem_shared>> -> memref<128x144xf32, #tpu.memory_space<vmem_shared>>
      tpu.wait_dma2 semaphore(%run_scoped3A_8 : memref<!tpu.dma_semaphore, #tpu.memory_space<semaphore_mem>>) src(%dma_wait3A_209 : memref<128x144xf32, #tpu.memory_space<vmem_shared>>) dst(%dma_wait3A_207 : memref<128x144xf32, #tpu.memory_space<hbm>>)
      tpu.yield
    }) : () -> ()
    return
  }
}

module attributes {stable_mosaic.version = 14 : i64} {
  func.func @_tc_body(%arg0: i32, %arg1: memref<1000x128xf32, #tpu.memory_space<vmem>>, %arg2: memref<1000x2xf32, #tpu.memory_space<vmem>>, %arg3: memref<1000x144xf32, #tpu.memory_space<vmem>>, %arg4: memref<1000x144xf32, #tpu.memory_space<vmem>>, %arg5: memref<128x128xf32, #tpu.memory_space<vmem>>, %arg6: memref<2x128xf32, #tpu.memory_space<vmem>>, %arg7: memref<2x128xf32, #tpu.memory_space<vmem>>, %arg8: memref<1x128xf32, #tpu.memory_space<vmem>>, %arg9: memref<1x128xf32, #tpu.memory_space<vmem>>, %arg10: memref<128x128xf32, #tpu.memory_space<vmem>>, %arg11: memref<2x128xf32, #tpu.memory_space<vmem>>, %arg12: memref<2x128xf32, #tpu.memory_space<vmem>>, %arg13: memref<1x128xf32, #tpu.memory_space<vmem>>, %arg14: memref<1x128xf32, #tpu.memory_space<vmem>>, %arg15: memref<128x128xf32, #tpu.memory_space<vmem>>, %arg16: memref<128x128xf32, #tpu.memory_space<vmem>>, %arg17: memref<128x128xf32, #tpu.memory_space<vmem>>, %arg18: memref<2x128xf32, #tpu.memory_space<vmem>>, %arg19: memref<1x128xf32, #tpu.memory_space<vmem>>, %arg20: memref<1000x128xf32, #tpu.memory_space<vmem>>) attributes {dimension_semantics = [#tpu.dimension_semantics<arbitrary>], iteration_bounds = array<i64: 10>, scalar_prefetch = 0 : i64, scratch_operands = 0 : i64, tpu.core_type = #tpu.core_type<tc>, window_params = [{transform_indices = @transform_0, window_bounds = array<i64: 1000, 128>}, {transform_indices = @transform_1, window_bounds = array<i64: 1000, 2>}, {transform_indices = @transform_2, window_bounds = array<i64: 1000, 144>}, {transform_indices = @transform_3, window_bounds = array<i64: 1000, 144>}, {pipeline_mode = #tpu.pipeline_mode<synchronous>, transform_indices = @transform_4, window_bounds = array<i64: 128, 128>}, {pipeline_mode = #tpu.pipeline_mode<synchronous>, transform_indices = @transform_5, window_bounds = array<i64: 2, 128>}, {pipeline_mode = #tpu.pipeline_mode<synchronous>, transform_indices = @transform_6, window_bounds = array<i64: 2, 128>}, {pipeline_mode = #tpu.pipeline_mode<synchronous>, transform_indices = @transform_7, window_bounds = array<i64: 1, 128>}, {pipeline_mode = #tpu.pipeline_mode<synchronous>, transform_indices = @transform_8, window_bounds = array<i64: 1, 128>}, {pipeline_mode = #tpu.pipeline_mode<synchronous>, transform_indices = @transform_9, window_bounds = array<i64: 128, 128>}, {pipeline_mode = #tpu.pipeline_mode<synchronous>, transform_indices = @transform_10, window_bounds = array<i64: 2, 128>}, {pipeline_mode = #tpu.pipeline_mode<synchronous>, transform_indices = @transform_11, window_bounds = array<i64: 2, 128>}, {pipeline_mode = #tpu.pipeline_mode<synchronous>, transform_indices = @transform_12, window_bounds = array<i64: 1, 128>}, {pipeline_mode = #tpu.pipeline_mode<synchronous>, transform_indices = @transform_13, window_bounds = array<i64: 1, 128>}, {pipeline_mode = #tpu.pipeline_mode<synchronous>, transform_indices = @transform_14, window_bounds = array<i64: 128, 128>}, {pipeline_mode = #tpu.pipeline_mode<synchronous>, transform_indices = @transform_15, window_bounds = array<i64: 128, 128>}, {pipeline_mode = #tpu.pipeline_mode<synchronous>, transform_indices = @transform_16, window_bounds = array<i64: 128, 128>}, {pipeline_mode = #tpu.pipeline_mode<synchronous>, transform_indices = @transform_17, window_bounds = array<i64: 2, 128>}, {pipeline_mode = #tpu.pipeline_mode<synchronous>, transform_indices = @transform_18, window_bounds = array<i64: 1, 128>}, {transform_indices = @transform_19, window_bounds = array<i64: 1000, 128>}]} {
    %get3A = arith.constant 0 : index
    %get3A_0 = arith.constant 0 : index
    %get3A_1 = vector.load %arg2[%get3A, %get3A_0] : memref<1000x2xf32, #tpu.memory_space<vmem>>, vector<1000x2xf32>
    %slice3A = vector.extract_strided_slice %get3A_1 {offsets = [0, 0], sizes = [1000, 1], strides = [1, 1]} : vector<1000x2xf32> to vector<1000x1xf32>
    %slice3A_2 = vector.extract_strided_slice %get3A_1 {offsets = [0, 1], sizes = [1000, 1], strides = [1, 1]} : vector<1000x2xf32> to vector<1000x1xf32>
    %get3A_3 = arith.constant 0 : index
    %get3A_4 = arith.constant 0 : index
    %get3A_5 = vector.load %arg3[%get3A_3, %get3A_4] : memref<1000x144xf32, #tpu.memory_space<vmem>>, vector<1000x144xf32>
    %slice3A_6 = vector.extract_strided_slice %get3A_5 {offsets = [0, 0], sizes = [1000, 128], strides = [1, 1]} : vector<1000x144xf32> to vector<1000x128xf32>
    %get3A_7 = arith.constant 0 : index
    %get3A_8 = arith.constant 0 : index
    %get3A_9 = vector.load %arg5[%get3A_7, %get3A_8] : memref<128x128xf32, #tpu.memory_space<vmem>>, vector<128x128xf32>
    %dot_general3A = arith.constant dense<0.000000e+00> : vector<1000x128xf32>
    %dot_general3A_10 = tpu.matmul %slice3A_6, %get3A_9, %dot_general3A {dimension_numbers = #tpu.dot_dimension_numbers<[1], [0], [0], [1], [0, 0, 1, 1], [], []>, transpose_lhs_hint = false} : vector<1000x128xf32>, vector<128x128xf32>, vector<1000x128xf32> -> vector<1000x128xf32>
    %slice3A_11 = vector.extract_strided_slice %get3A_5 {offsets = [0, 128], sizes = [1000, 1], strides = [1, 1]} : vector<1000x144xf32> to vector<1000x1xf32>
    %get3A_12 = arith.constant 0 : index
    %get3A_13 = arith.constant 0 : index
    %get3A_14 = vector.load %arg6[%get3A_12, %get3A_13] : memref<2x128xf32, #tpu.memory_space<vmem>>, vector<1x128xf32>
    %mul3A = vector.broadcast %slice3A_11 : vector<1000x1xf32> to vector<1000x128xf32>
    %mul3A_15 = vector.broadcast %get3A_14 : vector<1x128xf32> to vector<1000x128xf32>
    %mul3A_16 = arith.mulf %mul3A, %mul3A_15 : vector<1000x128xf32>
    %add3A = arith.addf %dot_general3A_10, %mul3A_16 : vector<1000x128xf32>
    %slice3A_17 = vector.extract_strided_slice %get3A_5 {offsets = [0, 129], sizes = [1000, 1], strides = [1, 1]} : vector<1000x144xf32> to vector<1000x1xf32>
    %get3A_18 = arith.constant 1 : index
    %get3A_19 = arith.constant 0 : index
    %get3A_20 = vector.load %arg6[%get3A_18, %get3A_19] : memref<2x128xf32, #tpu.memory_space<vmem>>, vector<1x128xf32>
    %mul3A_21 = vector.broadcast %slice3A_17 : vector<1000x1xf32> to vector<1000x128xf32>
    %mul3A_22 = vector.broadcast %get3A_20 : vector<1x128xf32> to vector<1000x128xf32>
    %mul3A_23 = arith.mulf %mul3A_21, %mul3A_22 : vector<1000x128xf32>
    %add3A_24 = arith.addf %add3A, %mul3A_23 : vector<1000x128xf32>
    %slice3A_25 = vector.extract_strided_slice %get3A_5 {offsets = [0, 131], sizes = [1000, 1], strides = [1, 1]} : vector<1000x144xf32> to vector<1000x1xf32>
    %get3A_26 = arith.constant 0 : index
    %get3A_27 = arith.constant 0 : index
    %get3A_28 = vector.load %arg7[%get3A_26, %get3A_27] : memref<2x128xf32, #tpu.memory_space<vmem>>, vector<1x128xf32>
    %mul3A_29 = vector.broadcast %slice3A : vector<1000x1xf32> to vector<1000x128xf32>
    %mul3A_30 = vector.broadcast %get3A_28 : vector<1x128xf32> to vector<1000x128xf32>
    %mul3A_31 = arith.mulf %mul3A_29, %mul3A_30 : vector<1000x128xf32>
    %get3A_32 = arith.constant 1 : index
    %get3A_33 = arith.constant 0 : index
    %get3A_34 = vector.load %arg7[%get3A_32, %get3A_33] : memref<2x128xf32, #tpu.memory_space<vmem>>, vector<1x128xf32>
    %mul3A_35 = vector.broadcast %slice3A_2 : vector<1000x1xf32> to vector<1000x128xf32>
    %mul3A_36 = vector.broadcast %get3A_34 : vector<1x128xf32> to vector<1000x128xf32>
    %mul3A_37 = arith.mulf %mul3A_35, %mul3A_36 : vector<1000x128xf32>
    %add3A_38 = arith.addf %mul3A_31, %mul3A_37 : vector<1000x128xf32>
    %get3A_39 = arith.constant 0 : index
    %get3A_40 = arith.constant 0 : index
    %get3A_41 = vector.load %arg9[%get3A_39, %get3A_40] : memref<1x128xf32, #tpu.memory_space<vmem>>, vector<1x128xf32>
    %add3A_42 = vector.broadcast %get3A_41 : vector<1x128xf32> to vector<1000x128xf32>
    %add3A_43 = arith.addf %add3A_38, %add3A_42 : vector<1000x128xf32>
    %mul3A_44 = vector.broadcast %slice3A_25 : vector<1000x1xf32> to vector<1000x128xf32>
    %mul3A_45 = arith.mulf %mul3A_44, %add3A_43 : vector<1000x128xf32>
    %add3A_46 = arith.addf %add3A_24, %mul3A_45 : vector<1000x128xf32>
    %slice3A_47 = vector.extract_strided_slice %get3A_5 {offsets = [0, 130], sizes = [1000, 1], strides = [1, 1]} : vector<1000x144xf32> to vector<1000x1xf32>
    %get3A_48 = arith.constant 0 : index
    %get3A_49 = arith.constant 0 : index
    %get3A_50 = vector.load %arg8[%get3A_48, %get3A_49] : memref<1x128xf32, #tpu.memory_space<vmem>>, vector<1x128xf32>
    %mul3A_51 = vector.broadcast %slice3A_47 : vector<1000x1xf32> to vector<1000x128xf32>
    %mul3A_52 = vector.broadcast %get3A_50 : vector<1x128xf32> to vector<1000x128xf32>
    %mul3A_53 = arith.mulf %mul3A_51, %mul3A_52 : vector<1000x128xf32>
    %add3A_54 = arith.addf %add3A_46, %mul3A_53 : vector<1000x128xf32>
    %get3A_55 = arith.constant 0 : index
    %get3A_56 = arith.constant 0 : index
    %get3A_57 = vector.load %arg4[%get3A_55, %get3A_56] : memref<1000x144xf32, #tpu.memory_space<vmem>>, vector<1000x144xf32>
    %slice3A_58 = vector.extract_strided_slice %get3A_57 {offsets = [0, 131], sizes = [1000, 1], strides = [1, 1]} : vector<1000x144xf32> to vector<1000x1xf32>
    %slice3A_59 = vector.extract_strided_slice %get3A_57 {offsets = [0, 0], sizes = [1000, 128], strides = [1, 1]} : vector<1000x144xf32> to vector<1000x128xf32>
    %get3A_60 = arith.constant 0 : index
    %get3A_61 = arith.constant 0 : index
    %get3A_62 = vector.load %arg10[%get3A_60, %get3A_61] : memref<128x128xf32, #tpu.memory_space<vmem>>, vector<128x128xf32>
    %dot_general3A_63 = arith.constant dense<0.000000e+00> : vector<1000x128xf32>
    %dot_general3A_64 = tpu.matmul %slice3A_59, %get3A_62, %dot_general3A_63 {dimension_numbers = #tpu.dot_dimension_numbers<[1], [0], [0], [1], [0, 0, 1, 1], [], []>, transpose_lhs_hint = false} : vector<1000x128xf32>, vector<128x128xf32>, vector<1000x128xf32> -> vector<1000x128xf32>
    %slice3A_65 = vector.extract_strided_slice %get3A_57 {offsets = [0, 128], sizes = [1000, 1], strides = [1, 1]} : vector<1000x144xf32> to vector<1000x1xf32>
    %get3A_66 = arith.constant 0 : index
    %get3A_67 = arith.constant 0 : index
    %get3A_68 = vector.load %arg11[%get3A_66, %get3A_67] : memref<2x128xf32, #tpu.memory_space<vmem>>, vector<1x128xf32>
    %mul3A_69 = vector.broadcast %slice3A_65 : vector<1000x1xf32> to vector<1000x128xf32>
    %mul3A_70 = vector.broadcast %get3A_68 : vector<1x128xf32> to vector<1000x128xf32>
    %mul3A_71 = arith.mulf %mul3A_69, %mul3A_70 : vector<1000x128xf32>
    %add3A_72 = arith.addf %dot_general3A_64, %mul3A_71 : vector<1000x128xf32>
    %slice3A_73 = vector.extract_strided_slice %get3A_57 {offsets = [0, 129], sizes = [1000, 1], strides = [1, 1]} : vector<1000x144xf32> to vector<1000x1xf32>
    %get3A_74 = arith.constant 1 : index
    %get3A_75 = arith.constant 0 : index
    %get3A_76 = vector.load %arg11[%get3A_74, %get3A_75] : memref<2x128xf32, #tpu.memory_space<vmem>>, vector<1x128xf32>
    %mul3A_77 = vector.broadcast %slice3A_73 : vector<1000x1xf32> to vector<1000x128xf32>
    %mul3A_78 = vector.broadcast %get3A_76 : vector<1x128xf32> to vector<1000x128xf32>
    %mul3A_79 = arith.mulf %mul3A_77, %mul3A_78 : vector<1000x128xf32>
    %add3A_80 = arith.addf %add3A_72, %mul3A_79 : vector<1000x128xf32>
    %get3A_81 = arith.constant 0 : index
    %get3A_82 = arith.constant 0 : index
    %get3A_83 = vector.load %arg12[%get3A_81, %get3A_82] : memref<2x128xf32, #tpu.memory_space<vmem>>, vector<1x128xf32>
    %mul3A_84 = vector.broadcast %slice3A : vector<1000x1xf32> to vector<1000x128xf32>
    %mul3A_85 = vector.broadcast %get3A_83 : vector<1x128xf32> to vector<1000x128xf32>
    %mul3A_86 = arith.mulf %mul3A_84, %mul3A_85 : vector<1000x128xf32>
    %get3A_87 = arith.constant 1 : index
    %get3A_88 = arith.constant 0 : index
    %get3A_89 = vector.load %arg12[%get3A_87, %get3A_88] : memref<2x128xf32, #tpu.memory_space<vmem>>, vector<1x128xf32>
    %mul3A_90 = vector.broadcast %slice3A_2 : vector<1000x1xf32> to vector<1000x128xf32>
    %mul3A_91 = vector.broadcast %get3A_89 : vector<1x128xf32> to vector<1000x128xf32>
    %mul3A_92 = arith.mulf %mul3A_90, %mul3A_91 : vector<1000x128xf32>
    %add3A_93 = arith.addf %mul3A_86, %mul3A_92 : vector<1000x128xf32>
    %get3A_94 = arith.constant 0 : index
    %get3A_95 = arith.constant 0 : index
    %get3A_96 = vector.load %arg14[%get3A_94, %get3A_95] : memref<1x128xf32, #tpu.memory_space<vmem>>, vector<1x128xf32>
    %add3A_97 = vector.broadcast %get3A_96 : vector<1x128xf32> to vector<1000x128xf32>
    %add3A_98 = arith.addf %add3A_93, %add3A_97 : vector<1000x128xf32>
    %mul3A_99 = vector.broadcast %slice3A_58 : vector<1000x1xf32> to vector<1000x128xf32>
    %mul3A_100 = arith.mulf %mul3A_99, %add3A_98 : vector<1000x128xf32>
    %add3A_101 = arith.addf %add3A_80, %mul3A_100 : vector<1000x128xf32>
    %slice3A_102 = vector.extract_strided_slice %get3A_57 {offsets = [0, 130], sizes = [1000, 1], strides = [1, 1]} : vector<1000x144xf32> to vector<1000x1xf32>
    %get3A_103 = arith.constant 0 : index
    %get3A_104 = arith.constant 0 : index
    %get3A_105 = vector.load %arg13[%get3A_103, %get3A_104] : memref<1x128xf32, #tpu.memory_space<vmem>>, vector<1x128xf32>
    %mul3A_106 = vector.broadcast %slice3A_102 : vector<1000x1xf32> to vector<1000x128xf32>
    %mul3A_107 = vector.broadcast %get3A_105 : vector<1x128xf32> to vector<1000x128xf32>
    %mul3A_108 = arith.mulf %mul3A_106, %mul3A_107 : vector<1000x128xf32>
    %add3A_109 = arith.addf %add3A_101, %mul3A_108 : vector<1000x128xf32>
    %gt3A = arith.constant 0.000000e+00 : f32
    %gt3A_110 = vector.broadcast %gt3A : f32 to vector<1000x1xf32>
    %gt3A_111 = arith.cmpf ogt, %slice3A_58, %gt3A_110 : vector<1000x1xf32>
    %max3A = arith.constant 1.000000e+00 : f32
    %max3A_112 = vector.broadcast %max3A : f32 to vector<1000x1xf32>
    %max3A_113 = arith.maximumf %slice3A_58, %max3A_112 : vector<1000x1xf32>
    %div3A = vector.broadcast %max3A_113 : vector<1000x1xf32> to vector<1000x128xf32>
    %div3A_114 = arith.divf %add3A_109, %div3A : vector<1000x128xf32>
    %jit3A = arith.constant 0.000000e+00 : f32
    %broadcast_in_dim3A = vector.shape_cast %gt3A_111 : vector<1000x1xi1> to vector<1000x1xi1>
    %broadcast_in_dim3A_115 = vector.broadcast %broadcast_in_dim3A : vector<1000x1xi1> to vector<1000x128xi1>
    %broadcast_in_dim3A_116 = vector.broadcast %jit3A : f32 to vector<1000x128xf32>
    %select_n3A = arith.select %broadcast_in_dim3A_115, %div3A_114, %broadcast_in_dim3A_116 : vector<1000x128xi1>, vector<1000x128xf32>
    %get3A_117 = arith.constant 0 : index
    %get3A_118 = arith.constant 0 : index
    %get3A_119 = vector.load %arg1[%get3A_117, %get3A_118] : memref<1000x128xf32, #tpu.memory_space<vmem>>, vector<1000x128xf32>
    %get3A_120 = arith.constant 0 : index
    %get3A_121 = arith.constant 0 : index
    %get3A_122 = vector.load %arg15[%get3A_120, %get3A_121] : memref<128x128xf32, #tpu.memory_space<vmem>>, vector<128x128xf32>
    %dot_general3A_123 = arith.constant dense<0.000000e+00> : vector<1000x128xf32>
    %dot_general3A_124 = tpu.matmul %get3A_119, %get3A_122, %dot_general3A_123 {dimension_numbers = #tpu.dot_dimension_numbers<[1], [0], [0], [1], [0, 0, 1, 1], [], []>, transpose_lhs_hint = false} : vector<1000x128xf32>, vector<128x128xf32>, vector<1000x128xf32> -> vector<1000x128xf32>
    %get3A_125 = arith.constant 0 : index
    %get3A_126 = arith.constant 0 : index
    %get3A_127 = vector.load %arg16[%get3A_125, %get3A_126] : memref<128x128xf32, #tpu.memory_space<vmem>>, vector<128x128xf32>
    %dot_general3A_128 = arith.constant dense<0.000000e+00> : vector<1000x128xf32>
    %dot_general3A_129 = tpu.matmul %add3A_54, %get3A_127, %dot_general3A_128 {dimension_numbers = #tpu.dot_dimension_numbers<[1], [0], [0], [1], [0, 0, 1, 1], [], []>, transpose_lhs_hint = false} : vector<1000x128xf32>, vector<128x128xf32>, vector<1000x128xf32> -> vector<1000x128xf32>
    %add3A_130 = arith.addf %dot_general3A_124, %dot_general3A_129 : vector<1000x128xf32>
    %get3A_131 = arith.constant 0 : index
    %get3A_132 = arith.constant 0 : index
    %get3A_133 = vector.load %arg17[%get3A_131, %get3A_132] : memref<128x128xf32, #tpu.memory_space<vmem>>, vector<128x128xf32>
    %dot_general3A_134 = arith.constant dense<0.000000e+00> : vector<1000x128xf32>
    %dot_general3A_135 = tpu.matmul %select_n3A, %get3A_133, %dot_general3A_134 {dimension_numbers = #tpu.dot_dimension_numbers<[1], [0], [0], [1], [0, 0, 1, 1], [], []>, transpose_lhs_hint = false} : vector<1000x128xf32>, vector<128x128xf32>, vector<1000x128xf32> -> vector<1000x128xf32>
    %add3A_136 = arith.addf %add3A_130, %dot_general3A_135 : vector<1000x128xf32>
    %get3A_137 = arith.constant 0 : index
    %get3A_138 = arith.constant 0 : index
    %get3A_139 = vector.load %arg18[%get3A_137, %get3A_138] : memref<2x128xf32, #tpu.memory_space<vmem>>, vector<1x128xf32>
    %mul3A_140 = vector.broadcast %slice3A : vector<1000x1xf32> to vector<1000x128xf32>
    %mul3A_141 = vector.broadcast %get3A_139 : vector<1x128xf32> to vector<1000x128xf32>
    %mul3A_142 = arith.mulf %mul3A_140, %mul3A_141 : vector<1000x128xf32>
    %add3A_143 = arith.addf %add3A_136, %mul3A_142 : vector<1000x128xf32>
    %get3A_144 = arith.constant 1 : index
    %get3A_145 = arith.constant 0 : index
    %get3A_146 = vector.load %arg18[%get3A_144, %get3A_145] : memref<2x128xf32, #tpu.memory_space<vmem>>, vector<1x128xf32>
    %mul3A_147 = vector.broadcast %slice3A_2 : vector<1000x1xf32> to vector<1000x128xf32>
    %mul3A_148 = vector.broadcast %get3A_146 : vector<1x128xf32> to vector<1000x128xf32>
    %mul3A_149 = arith.mulf %mul3A_147, %mul3A_148 : vector<1000x128xf32>
    %add3A_150 = arith.addf %add3A_143, %mul3A_149 : vector<1000x128xf32>
    %get3A_151 = arith.constant 0 : index
    %get3A_152 = arith.constant 0 : index
    %get3A_153 = vector.load %arg19[%get3A_151, %get3A_152] : memref<1x128xf32, #tpu.memory_space<vmem>>, vector<1x128xf32>
    %add3A_154 = vector.broadcast %get3A_153 : vector<1x128xf32> to vector<1000x128xf32>
    %add3A_155 = arith.addf %add3A_150, %add3A_154 : vector<1000x128xf32>
    %swap3A = arith.constant 0 : index
    %swap3A_156 = arith.constant 0 : index
    %swap3A_157 = vector.load %arg20[%swap3A, %swap3A_156] : memref<1000x128xf32, #tpu.memory_space<vmem>>, vector<1000x128xf32>
    tpu.vector_store %arg20[%swap3A, %swap3A_156], %add3A_155 {strides = array<i32>} : memref<1000x128xf32, #tpu.memory_space<vmem>>, vector<1000x128xf32>,
    return
  }
  func.func @transform_0(%arg0: i32) -> (i32, i32) {
    %c0_i32 = arith.constant 0 : i32
    %c0_i32_0 = arith.constant 0 : i32
    return %arg0, %c0_i32 : i32, i32
  }
  func.func @transform_1(%arg0: i32) -> (i32, i32) {
    %c0_i32 = arith.constant 0 : i32
    %c0_i32_0 = arith.constant 0 : i32
    return %arg0, %c0_i32 : i32, i32
  }
  func.func @transform_2(%arg0: i32) -> (i32, i32) {
    %c0_i32 = arith.constant 0 : i32
    %c0_i32_0 = arith.constant 0 : i32
    return %arg0, %c0_i32 : i32, i32
  }
  func.func @transform_3(%arg0: i32) -> (i32, i32) {
    %c0_i32 = arith.constant 0 : i32
    %c0_i32_0 = arith.constant 0 : i32
    return %arg0, %c0_i32 : i32, i32
  }
  func.func @transform_4(%arg0: i32) -> (i32, i32) {
    %c0_i32 = arith.constant 0 : i32
    %c0_i32_0 = arith.constant 0 : i32
    %c0_i32_1 = arith.constant 0 : i32
    return %c0_i32, %c0_i32_0 : i32, i32
  }
  func.func @transform_5(%arg0: i32) -> (i32, i32) {
    %c0_i32 = arith.constant 0 : i32
    %c0_i32_0 = arith.constant 0 : i32
    %c0_i32_1 = arith.constant 0 : i32
    return %c0_i32, %c0_i32_0 : i32, i32
  }
  func.func @transform_6(%arg0: i32) -> (i32, i32) {
    %c0_i32 = arith.constant 0 : i32
    %c0_i32_0 = arith.constant 0 : i32
    %c0_i32_1 = arith.constant 0 : i32
    return %c0_i32, %c0_i32_0 : i32, i32
  }
  func.func @transform_7(%arg0: i32) -> (i32, i32) {
    %c0_i32 = arith.constant 0 : i32
    %c0_i32_0 = arith.constant 0 : i32
    %c0_i32_1 = arith.constant 0 : i32
    return %c0_i32, %c0_i32_0 : i32, i32
  }
  func.func @transform_8(%arg0: i32) -> (i32, i32) {
    %c0_i32 = arith.constant 0 : i32
    %c0_i32_0 = arith.constant 0 : i32
    %c0_i32_1 = arith.constant 0 : i32
    return %c0_i32, %c0_i32_0 : i32, i32
  }
  func.func @transform_9(%arg0: i32) -> (i32, i32) {
    %c0_i32 = arith.constant 0 : i32
    %c0_i32_0 = arith.constant 0 : i32
    %c0_i32_1 = arith.constant 0 : i32
    return %c0_i32, %c0_i32_0 : i32, i32
  }
  func.func @transform_10(%arg0: i32) -> (i32, i32) {
    %c0_i32 = arith.constant 0 : i32
    %c0_i32_0 = arith.constant 0 : i32
    %c0_i32_1 = arith.constant 0 : i32
    return %c0_i32, %c0_i32_0 : i32, i32
  }
  func.func @transform_11(%arg0: i32) -> (i32, i32) {
    %c0_i32 = arith.constant 0 : i32
    %c0_i32_0 = arith.constant 0 : i32
    %c0_i32_1 = arith.constant 0 : i32
    return %c0_i32, %c0_i32_0 : i32, i32
  }
  func.func @transform_12(%arg0: i32) -> (i32, i32) {
    %c0_i32 = arith.constant 0 : i32
    %c0_i32_0 = arith.constant 0 : i32
    %c0_i32_1 = arith.constant 0 : i32
    return %c0_i32, %c0_i32_0 : i32, i32
  }
  func.func @transform_13(%arg0: i32) -> (i32, i32) {
    %c0_i32 = arith.constant 0 : i32
    %c0_i32_0 = arith.constant 0 : i32
    %c0_i32_1 = arith.constant 0 : i32
    return %c0_i32, %c0_i32_0 : i32, i32
  }
  func.func @transform_14(%arg0: i32) -> (i32, i32) {
    %c0_i32 = arith.constant 0 : i32
    %c0_i32_0 = arith.constant 0 : i32
    %c0_i32_1 = arith.constant 0 : i32
    return %c0_i32, %c0_i32_0 : i32, i32
  }
  func.func @transform_15(%arg0: i32) -> (i32, i32) {
    %c0_i32 = arith.constant 0 : i32
    %c0_i32_0 = arith.constant 0 : i32
    %c0_i32_1 = arith.constant 0 : i32
    return %c0_i32, %c0_i32_0 : i32, i32
  }
  func.func @transform_16(%arg0: i32) -> (i32, i32) {
    %c0_i32 = arith.constant 0 : i32
    %c0_i32_0 = arith.constant 0 : i32
    %c0_i32_1 = arith.constant 0 : i32
    return %c0_i32, %c0_i32_0 : i32, i32
  }
  func.func @transform_17(%arg0: i32) -> (i32, i32) {
    %c0_i32 = arith.constant 0 : i32
    %c0_i32_0 = arith.constant 0 : i32
    %c0_i32_1 = arith.constant 0 : i32
    return %c0_i32, %c0_i32_0 : i32, i32
  }
  func.func @transform_18(%arg0: i32) -> (i32, i32) {
    %c0_i32 = arith.constant 0 : i32
    %c0_i32_0 = arith.constant 0 : i32
    %c0_i32_1 = arith.constant 0 : i32
    return %c0_i32, %c0_i32_0 : i32, i32
  }
  func.func @transform_19(%arg0: i32) -> (i32, i32) {
    %c0_i32 = arith.constant 0 : i32
    %c0_i32_0 = arith.constant 0 : i32
    return %arg0, %c0_i32 : i32, i32
  }
}

</mosaic_0001>

<sc_bundles>
// kernel: kernel.4.cloned.1.call-start
scs
__scs_entry_jumppad:
0x0: {  	(pc) =	sbr.rel $0x88, $3  }
0x1: {  	(tag) =	ssettag $0x0;
	lr =	simm.s32 $0x1  }
0x2: {  	[smem:$0x3F93] =	sst lr;
	_ =	strace $0xD0000000  }
0x3: {  	_ = 	snop  }
0x4: {  	_ = 	snop  }
0x5: {  	_ = 	snop  }
0x6: {  	_ = 	snop  }
0x7: {  	_ = 	snop  }
__scs_overlays_trampoline_lowered:
0x8: {  	[smem:$0x3FA2] =	sst s0  }
0x9: {  	[smem:$0x3FA3] =	sst s1  }
0xa: {  	[smem:$0x3FA4] =	sst s2  }
0xb: {  	[smem:$0x3FA5] =	sst s3  }
0xc: {  	[smem:$0x3FA6] =	sst s4  }
0xd: {  	[smem:$0x3FA7] =	sst s5  }
0xe: {  	[smem:$0x3FA8] =	sst s6  }
0xf: {  	[smem:$0x3FA9] =	sst s7  }
0x10: {  	[smem:$0x3FAA] =	sst s8  }
0x11: {  	[smem:$0x3FAB] =	sst s9;
	s0 =	simm.s32 @!p0 $0x0  }
0x12: {  	s1 =	sld [smem:$0x3F91];
	s0 =	simm.s32 @p0 $0x1  }
0x13: {  	[smem:$0x3FAC] =	sst s0;
	s0 =	simm.s32 @!p1 $0x0  }
0x14: {  	s2 =	sld [smem:$0x3F90];
	s0 =	simm.s32 @p1 $0x1  }
0x15: {  	[smem:$0x3FAD] =	sst s0;
	s0 =	simm.s32 @!p2 $0x0  }
0x16: {  	s3 =	sld [smem:$0x3FDB];
	s0 =	simm.s32 @p2 $0x1  }
0x17: {  	s4 =	simm.s32 $0x1BF5;
	[smem:$0x3FAF] =	sst s0  }
0x18: {  	s0 =	sld [smem:$0x3F92];
	_ =	swait.ge [sflag:s4], $0x0  }
0x19: {  	s7 =	sld [smem:$0x3F93]  }
0x1a: {  	s8 =	sadd.s32 $0xFFFFE003, lr  }
0x1b: {  	s9 =	sadd.s32 $0xFFFFFEF7, lr;
	s5 =	simm.s32 $0xFFFFFFFF;
	p2 =	slt.u32 s8, $0xFFFFF086  }
0x1c: {  	p1 =	slt.u32 s9, $0xF7A;
	s5 =	simm.s32 @!p2 $0x0  }
0x1d: {  	s5 =	simm.s32 @p1 $0x1;
	p0 =	seq.s32 s7, s2  }
0x1e: {  	s7 =	smul.u32 @!p0 $0xF7A, s2;
	p2 =	seq.s32 @!p0 s5, $0x0  }
0x1f: {  	s9 =	smul.u32 $0xF7A, s1;
	s8 =	simm.s32 @!p0 $0x1BF5;
	p2 =	por !p2, p0  }
0x20: {  	[sflag:s8] =	ssyncset.s32 @!p0 $0xFFFFF086;
	s6 =	sadd.s32 @!p0 s3, s7;
	s7 =	simm.s32 @!p0 $0x108  }
0x21: {  	s3 =	sadd.s32 s3, s9;
	s6 =	sadd.s32 @!p0 $0x88, s6;
	s7 =	simm.s32 @p2 $0x1082  }
0x22: {  	[simem:s7], [sflag:s8] =	dma.local @!p0 [hbm:s6], $0xF7A  }
0x23: {  	s9 =	sor.u32 $0xD0000000, s2;
	s6 =	simm.s32 $0x108;
	_ =	swait.ge @!p0 [sflag:s8], $0x0  }
0x24: {  	s3 =	sadd.s32 $0x88, s3;
	s6 =	simm.s32 @!p1 $0x1082;
	[sflag:s4] =	ssyncset.s32 $0xFFFFF086  }
0x25: {  	[simem:s6], [sflag:s4] =	dma.local [hbm:s3], $0xF7A  }
0x26: {  	[smem:$0x3F93] =	sst s1;
	(tag) =	ssettag s2;
	_ =	strace s9  }
0x27: {  	s1 =	sld [smem:$0x3FA3]  }
0x28: {  	s2 =	sld [smem:$0x3FA4]  }
0x29: {  	s4 =	sld [smem:$0x3FA6]  }
0x2a: {  	p0 =	seq.s32 s5, $0x0;
	s5 =	sld [smem:$0x3FA7]  }
0x2b: {  	s6 =	sld [smem:$0x3FA8]  }
0x2c: {  	s7 =	sld [smem:$0x3FA9]  }
0x2d: {  	s3 =	simm.s32 $0x108;
	s8 =	sld [smem:$0x3FAA]  }
0x2e: {  	s3 =	simm.s32 @!p0 $0x1082;
	s9 =	sld [smem:$0x3FAB]  }
0x2f: {  	lr =	sadd.s32 s0, s3;
	s0 =	sld [smem:$0x3FA2]  }
0x30: {  	s3 =	sld [smem:$0x3FA5]  }
0x31: {  	[smem:$0x3FAE] =	sst s10  }
0x32: {  	s10 =	sld [smem:$0x3FAC];
	_ =	sdelay $0x3  }
0x33: {  	p0 =	seq.s32 s10, $0x1;
	s10 =	sld [smem:$0x3FAE];
	_ =	sdelay $0x3  }
0x34: {  	[smem:$0x3FAE] =	sst s10  }
0x35: {  	s10 =	sld [smem:$0x3FAD];
	_ =	sdelay $0x3  }
0x36: {  	p1 =	seq.s32 s10, $0x1;
	s10 =	sld [smem:$0x3FAE];
	_ =	sdelay $0x3  }
0x37: {  	[smem:$0x3FAE] =	sst s10  }
0x38: {  	s10 =	sld [smem:$0x3FAF]  }
0x39: {  	_ = 	snop;
	(pc) =	sbr.ind lr, $3  }
0x3a: {  	_ = 	snop  }
0x3b: {  	_ = 	snop  }
0x3c: {  	p2 =	seq.s32 s10, $0x1;
	s10 =	sld [smem:$0x3FAE]  }
0x3d: {  	_ =	shalt  }
0x3e: {  	_ =	shalt  }
0x3f: {  	_ =	shalt  }
0x40: {  	_ =	shalt  }
0x41: {  	_ =	shalt  }
0x42: {  	_ =	shalt  }
0x43: {  	_ =	shalt  }
0x44: {  	_ =	shalt  }
0x45: {  	_ =	shalt  }
0x46: {  	_ =	shalt  }
0x47: {  	_ =	shalt  }
0x48: {  	_ =	shalt  }
0x49: {  	_ =	shalt  }
0x4a: {  	_ =	shalt  }
0x4b: {  	_ =	shalt  }
0x4c: {  	_ =	shalt  }
0x4d: {  	_ =	shalt  }
0x4e: {  	_ =	shalt  }
0x4f: {  	_ =	shalt  }
0x50: {  	_ =	shalt  }
0x51: {  	_ =	shalt  }
0x52: {  	_ =	shalt  }
0x53: {  	_ =	shalt  }
0x54: {  	_ =	shalt  }
0x55: {  	_ =	shalt  }
0x56: {  	_ =	shalt  }
0x57: {  	_ =	shalt  }
0x58: {  	_ =	shalt  }
0x59: {  	_ =	shalt  }
0x5a: {  	_ =	shalt  }
0x5b: {  	_ =	shalt  }
0x5c: {  	_ =	shalt  }
0x5d: {  	_ =	shalt  }
0x5e: {  	_ =	shalt  }
0x5f: {  	_ =	shalt  }
0x60: {  	_ =	shalt  }
0x61: {  	_ =	shalt  }
0x62: {  	_ =	shalt  }
0x63: {  	_ =	shalt  }
0x64: {  	_ =	shalt  }
0x65: {  	_ =	shalt  }
0x66: {  	_ =	shalt  }
0x67: {  	_ =	shalt  }
0x68: {  	_ =	shalt  }
0x69: {  	_ =	shalt  }
0x6a: {  	_ =	shalt  }
0x6b: {  	_ =	shalt  }
0x6c: {  	_ =	shalt  }
0x6d: {  	_ =	shalt  }
0x6e: {  	_ =	shalt  }
0x6f: {  	_ =	shalt  }
0x70: {  	_ =	shalt  }
0x71: {  	_ =	shalt  }
0x72: {  	_ =	shalt  }
0x73: {  	_ =	shalt  }
0x74: {  	_ =	shalt  }
0x75: {  	_ =	shalt  }
0x76: {  	_ =	shalt  }
0x77: {  	_ =	shalt  }
0x78: {  	_ =	shalt  }
0x79: {  	_ =	shalt  }
0x7a: {  	_ =	shalt  }
0x7b: {  	_ =	shalt  }
0x7c: {  	_ =	shalt  }
0x7d: {  	_ =	shalt  }
0x7e: {  	_ =	shalt  }
0x7f: {  	_ =	shalt  }
0x80: {  	_ =	shalt  }
0x81: {  	_ =	shalt  }
0x82: {  	_ =	shalt  }
0x83: {  	_ =	shalt  }
0x84: {  	_ =	shalt  }
0x85: {  	_ =	shalt  }
0x86: {  	_ =	shalt  }
0x87: {  	_ =	shalt  }
.Lfunc_end0:
.L_simem_size_0:
called_computation_lowered:
.L_overlay_start_0:
0x88: {  	s2 =	sld [smem:$0x3FD9]  }
0x89: {  	s3 =	sld [smem:$0x3FFE];
	_ =	sdelay $0x1  }
0x8a: {  	s1 =	srdreg.scid  }
0x8b: {  	s0 =	sand.u32 $0x1, s1  }
0x8c: {  	s17 =	sshll.u32 s0, $0xA;
	s2 =	sadd.s32 s3, s2  }
0x8d: {  	s2 =	sadd.s32 s2, s17  }
0x8e: {  	[smem:$0x3FBA] =	sst s2  }
0x8f: {  	_ = 	snop  }
0x90: {  	s2 =	sld [smem:$0x3FD0];
	(tm) =	ssettm $0x1  }
0x91: {  	s18 =	sld [smem:$0x3FFB];
	_ =	sdelay $0x3  }
0x92: {  	_ =	strace s18  }
0x93: {  	s3 =	sld [smem:$0x3FFC];
	_ =	sdelay $0x3  }
0x94: {  	_ =	strace s3  }
0x95: {  	s3 =	sld [smem:$0x3FFD];
	_ =	sdelay $0x3  }
0x96: {  	_ =	strace s3  }
0x97: {  	_ =	strace $0x8FFFFFFF  }
0x98: {  	s19 =	sld [smem:$0x3FDB];
	_ =	sdelay $0x1  }
0x99: {  	s4 =	simm.s32 $_scs_section_size  }
0x9a: {  	s5 =	simm.s32 $_size__tile_overlayer_lowered;
	s6 =	simm.s32 $_tile_overlayer_lowered  }
0x9b: {  	s22 =	simm.s32 $0x1BFF;
	s21 =	sshll.u32 s6, $0x1;
	s3 =	sadd.s32 s4, s19  }
0x9c: {  	s7 =	simm.s32 $0x0;
	s20 =	sshll.u32 s5, $0x1;
	s5 =	sadd.s32 s21, s3  }
0x9d: {  	[timem:s7], [sflag:s22] =	dma.local [hbm:s5], s20  }
0x9e: {  	_ =	swait.ge [sflag:s22], s20  }
0x9f: {  	s4 =	ssub.s32 $0x0, s20;
	[sflag:s22] =	ssyncset.done $0x0  }
0xa0: {  	[sflag:s22] =	ssyncadd.s32 s4;
	_ =	sdelay $0x1  }
0xa1: {  	s23 =	simm.s32 $0x1B8B  }
0xa2: {  	_ =	swait.ge [sflag:s23], $0x1  }
0xa3: {  	[sflag:s23] =	ssyncset.done $0x0  }
0xa4: {  	s25 =	simm.s32 $0x1B8E;
	s24 =	sld [smem:$0x3FFE];
	[sflag:s23] =	ssyncadd.s32 $0xFFFFFFFF  }
0xa5: {  	s26 =	simm.s32 $execute0_lowered;
	[smem:$0x3FD2] =	sst s25  }
0xa6: {  	s5 =	sshll.u32 s26, $0x1;
	_ =	strace $0x80000046;
	[dreg:$0x1] =	wrdreg $0xFFFFFFFF  }
0xa7: {  	s28 =	simm.s32 $_size_execute0_lowered;
	s3 =	sadd.s32 s3, s5;
	[dreg:$0x0] =	wrdreg $0x0  }
0xa8: {  	s5 =	sshll.u32 s28, $0x1;
	[dreg:$0x2] =	wrdreg s3  }
0xa9: {  	[dreg:$0x3] =	wrdreg s5  }
0xaa: {  	[dreg:$0x4] =	wrdreg $0xC0  }
0xab: {  	_ =	task [dreg:s7], $0x5FFFF  }
0xac: {  	[dreg:$0x1] =	wrdreg $0xFFFFFFFF  }
0xad: {  	[dreg:$0x0] =	wrdreg $0x60  }
0xae: {  	[dreg:$0x2] =	wrdreg s24  }
0xaf: {  	[dreg:$0x3] =	wrdreg s2  }
0xb0: {  	[dreg:$0x4] =	wrdreg $0x0  }
0xb1: {  	[dreg:$0x5] =	wrdreg $0x9  }
0xb2: {  	_ =	task.clear_ibuf [dreg:s7], $0x6FFFF;
	_ =	strace $0x90000046  }
0xb3: {  	s29 =	simm.s32 $0x9;
	_ =	strace $0x80000048  }
0xb4: {  	_ =	swait.ge [sflag:s29], $0x1  }
0xb5: {  	[sflag:s29] =	ssyncadd.s32 $0xFFFFFFFF  }
0xb6: {  	_ =	strace $0x90000048  }
0xb7: {  	_ =	sfence  }
0xb8: {  	s30 =	sld [smem:$0x0];
	_ =	sdelay $0x2  }
0xb9: {  	s31 =	sshll.u32 s1, $0xD;
	s1 =	sshrl.u32 s1, $0x2  }
0xba: {  	s3 =	sand.u32 $0x4000, s31;
	s1 =	sadd.s32 s1, s30  }
0xbb: {  	s0 =	sor.u32 s3, s0;
	s1 =	sshll.u32 s1, $0x11  }
0xbc: {  	s0 =	sor.u32 s1, s0  }
0xbd: {  	s0 =	sadd.s32 $0x8F2B, s0  }
0xbe: {  	[sflag:s0] =	ssyncadd.remote.s32 $0x1  }
0xbf: {  	_ =	sfence.sel $0xFFFF  }
0xc0: {  	[dreg:$0x0] =	wrdreg $0xFFFFFFFF;
	(pc) =	sbr.abs _section_cstart, $3  }
0xc1: {  	[dreg:$0x1] =	wrdreg $0xFFFFFFFF  }
0xc2: {  	_ =	task.clear_ibuf [dreg:s7], $0x2FFFF;
	_ =	strace $0x9FFFFFFF  }
0xc3: {  	(tm) =	ssettm $0x7FFFFFFF  }
tec
execute0_lowered:
.L_overlay_start_1:
0x0: {  	(tag) =	ssettag $0x1  }
0x1: {  	s0 =	rddreg [dreg:$0x0]  }
0x2: {  	s1 =	rddreg [dreg:$0x1]  }
0x3: {  	s2 =	rddreg [dreg:$0x2];
	s4 =	srdreg.scid;
	s3 =	simm.s32 $0x0  }
0x4: {  	s7 =	stileid.u32;
	s24 =	simm.s32 $0x160A0;
	s25 =	simm.s32 $0x16120  }
0x5: {  	s26 =	simm.s32 $0x164A0;
	s12 =	simm.s32 $0x16520;
	s28 =	simm.s32 $0x5  }
0x6: {  	s29 =	simm.s32 $0x16020;
	s30 =	simm.s32 $0x16820;
	s31 =	simm.s32 $0x16420  }
0x7: {  	s4 =	sand.u32 $0x1, s4;
	[smem:$0x7FF] =	sst s3;
	s5 =	sadd.s32 $0x600, s0  }
0x8: {  	s10 =	smul.u32 $0xA0, s7;
	_ =	strace $0x80000047;
	[dreg:$0x4] =	wrdreg s24  }
0x9: {  	s6 =	sadd.s32 $0x58600, s0;
	s14 =	smul.u32 $0x15F00, s7;
	[dreg:$0x5] =	wrdreg s25  }
0xa: {  	s7 =	sadd.s32 $0x6C600, s0;
	s8 =	smul.u32 $0x2BF20, s4;
	[dreg:$0x6] =	wrdreg s26  }
0xb: {  	s9 =	smul.u32 $0xA00, s4;
	s4 =	ssub.s32 $0x2, s4;
	[dreg:$0x8] =	wrdreg s12  }
0xc: {  	s11 =	sshrl.u32 s4, $0x1;
	s15 =	sadd.s32 $0x4800, s14;
	s16 =	sadd.s32 $0x9000, s14  }
0xd: {  	s18 =	sadd.s32 s14, s2;
	s17 =	sadd.s32 $0xD800, s14;
	s0 =	sadd.s32 s8, s0  }
0xe: {  	s4 =	ssub.s32 s4, s11;
	s13 =	sadd.s32 s10, s9;
	[dreg:$0xc] =	wrdreg s18  }
0xf: {  	s19 =	sadd.s32 s15, s2;
	s10 =	sadd.s32 s16, s2;
	s18 =	sadd.s32 $0x12000, s14  }
0x10: {  	s20 =	sadd.s32 s17, s2;
	s14 =	sshrl.u32 s14, $0x3;
	s15 =	sshrl.u32 s15, $0x3  }
0x11: {  	s9 =	simm.s32 $0x161A0;
	s16 =	sshrl.u32 s16, $0x3;
	[dreg:$0xd] =	wrdreg s19  }
0x12: {  	s17 =	sshrl.u32 s17, $0x3;
	s11 =	sshll.u32 s13, $0x4;
	[dreg:$0x13] =	wrdreg s20  }
0x13: {  	s13 =	sadd.s32 s18, s2;
	[dreg:$0x7] =	wrdreg s9;
	s19 =	simm.s32 $0x16220  }
0x14: {  	s0 =	sadd.s32 $0x80600, s0;
	s4 =	smax.u32 s4, $0x1;
	[dreg:$0x9] =	wrdreg s19  }
0x15: {  	s20 =	sshrl.u32 s18, $0x3;
	s21 =	sadd.s32 s1, s11;
	[dreg:$0x11] =	wrdreg s4  }
0x16: {  	s18 =	simm.s32 $0x16C20;
	s22 =	sadd.s32 s7, s11;
	[dreg:$0xe] =	wrdreg s21  }
0x17: {  	s23 =	sadd.s32 s6, s11;
	s19 =	simm.s32 $0x2;
	[dreg:$0xf] =	wrdreg s22  }
0x18: {  	s24 =	sadd.s32 s15, s0;
	s25 =	sadd.s32 s16, s0;
	[dreg:$0x10] =	wrdreg s23  }
0x19: {  	s26 =	sadd.s32 s17, s0;
	s4 =	simm.s32 $0x1;
	[dreg:$0x14] =	wrdreg s24  }
0x1a: {  	s15 =	simm.s32 $0x16620;
	s16 =	simm.s32 $0x16320;
	[dreg:$0x15] =	wrdreg s25  }
0x1b: {  	v0 =	vlaneseq.u32;
	s17 =	simm.s32 $0x166A0;
	s21 =	simm.s32 $0x165A0;
	[dreg:$0x16] =	wrdreg s26  }
0x1c: {  	v8 =	vmul.u32 $0x90, v0;
	s22 =	simm.s32 $0x162A0;
	s23 =	sadd.s32 s14, s0;
	[dreg:$0xa] =	wrdreg s21  }
0x1d: {  	s0 =	sadd.s32 s20, s0;
	s25 =	simm.s32 $0x3;
	[dreg:$0xb] =	wrdreg s22  }
0x1e: {  	v0 =	vimm.f32 $0.0e+00;
	v1 =	vadd.s32 $0x82, v8;
	v2 =	vadd.s32 $0x982, v8;
	s26 =	simm.s32 $0x4;
	s14 =	simm.s32 $0x1B420;
	[dreg:$0x12] =	wrdreg s23  }
0x1f: {  	v3 =	vadd.s32 $0x1282, v8;
	v4 =	vadd.s32 $0x1B82, v8;
	v5 =	vadd.s32 $0x2482, v8;
	s20 =	simm.s32 $0x163A0;
	[dreg:$0x17] =	wrdreg s0;
	s0 =	simm.s32 $0x80  }
0x20: {  	v6 =	vadd.s32 $0x2D82, v8;
	v7 =	vadd.s32 $0x3682, v8;
	v8 =	vadd.s32 $0x3F82, v8;
	s21 =	simm.s32 $0x16720;
	s22 =	simm.s32 $0x167A0;
	s23 =	simm.s32 $0x0  }
.LBB2_1:
0x21: {  	s8 =	simm.s32 $0x0;
	s24 =	simm.s32 $0x240  }
.LBB2_2:
0x22: {  	p0 =	sne.s32 s24, $0x11DC0;
	[tilespmem:s8+$0x16CA0] =	vst v0  }
0x23: {  	[tilespmem:s8+$0x16C20] =	vst v0  }
0x24: {  	[tilespmem:s8+$0x16C30] =	vst v0  }
0x25: {  	[tilespmem:s8+$0x16C40] =	vst v0  }
.Ltmp0:
0x26: {  	[tilespmem:s8+$0x16C50] =	vst v0;
	(pc) =	sbr.rel @p0 .LBB2_2-.Ltmp0, $4  }
0x27: {  	[tilespmem:s8+$0x16C60] =	vst v0  }
0x28: {  	[tilespmem:s8+$0x16C70] =	vst v0  }
0x29: {  	[tilespmem:s8+$0x16C80] =	vst v0  }
0x2a: {  	[tilespmem:s8+$0x16C90] =	vst v0;
	s8 =	sshra.s32 s24, $0x2;
	s24 =	sadd.s32 $0x240, s24  }
0x2b: {  	[tilespmem:s8+$0x16CA0] =	vst v0  }
0x2c: {  	[tilespmem:s8+$0x16C20] =	vst v0  }
0x2d: {  	[tilespmem:s8+$0x16C30] =	vst v0  }
0x2e: {  	[tilespmem:s8+$0x16C40] =	vst v0  }
0x2f: {  	[tilespmem:s8+$0x16C50] =	vst v0  }
0x30: {  	[tilespmem:s8+$0x16C60] =	vst v0  }
0x31: {  	[tilespmem:s8+$0x16C70] =	vst v0  }
0x32: {  	[tilespmem:s8+$0x16C80] =	vst v0  }
0x33: {  	[tilespmem:s8+$0x16C90] =	vst v0;
	s12 =	rddreg [dreg:$0xc]  }
0x34: {  	[spmem:s12] =	stream.linear.scatter [tilespmem:s18], [sflag:$0x1], $0x4800, $0x38;
	[tilespmem:$0x1FC20] =	vst v63  }
0x35: {  	s24 =	rddreg [dreg:$0xd]  }
0x36: {  	[spmem:s24] =	stream.linear.scatter [tilespmem:s18], [sflag:$0x2], $0x4800, $0x38;
	[tilespmem:$0x1FC20] =	vst v63  }
0x37: {  	_ = 	snop  }
0x38: {  	[spmem:s10] =	stream.linear.scatter [tilespmem:s18], [sflag:$0x3], $0x4800, $0x38;
	[tilespmem:$0x1FC20] =	vst v63  }
0x39: {  	s9 =	rddreg [dreg:$0x13]  }
0x3a: {  	[spmem:s9] =	stream.linear.scatter [tilespmem:s18], [sflag:$0x4], $0x4800, $0x38;
	[tilespmem:$0x1FC20] =	vst v63  }
0x3b: {  	s8 =	simm.s32 $0x1  }
0x3c: {  	[spmem:s13] =	stream.linear.scatter [tilespmem:s18], [sflag:$0x5], $0x4800, $0x38;
	[tilespmem:$0x1FC20] =	vst v63  }
0x3d: {  	_ =	swait.ge [sflag:s8], $0x4800  }
0x3e: {  	[sflag:s8] =	ssyncset.done $0x0  }
0x3f: {  	[sflag:s8] =	ssyncadd.s32 $0xFFFFB800  }
0x40: {  	_ =	swait.ge [sflag:s19], $0x4800  }
0x41: {  	[sflag:s19] =	ssyncset.done $0x0  }
0x42: {  	[sflag:s19] =	ssyncadd.s32 $0xFFFFB800  }
0x43: {  	_ =	swait.ge [sflag:s25], $0x4800  }
0x44: {  	[sflag:s25] =	ssyncset.done $0x0  }
0x45: {  	[sflag:s25] =	ssyncadd.s32 $0xFFFFB800  }
0x46: {  	_ =	swait.ge [sflag:s26], $0x4800  }
0x47: {  	[sflag:s26] =	ssyncset.done $0x0  }
0x48: {  	[sflag:s26] =	ssyncadd.s32 $0xFFFFB800  }
0x49: {  	_ =	swait.ge [sflag:s28], $0x4800  }
0x4a: {  	[sflag:s28] =	ssyncset.done $0x0  }
0x4b: {  	[sflag:s28] =	ssyncadd.s32 $0xFFFFB800  }
0x4c: {  	[bflag:$0x0] =	sbarrier.arrive $0xFFFF  }
0x4d: {  	s9 =	rddreg [dreg:$0xe]  }
0x4e: {  	[tilespmem:s29], [sflag:$0x5] =	stream.linear.gather [hbm4b:s9+s3], $0x400, $0x38;
	[tilespmem:$0x1FC20] =	vst v63  }
0x4f: {  	s12 =	smov.u32 s10;
	s10 =	rddreg [dreg:$0xf]  }
0x50: {  	[tilespmem:s30], [sflag:$0x5] =	stream.linear.gather [hbm4b:s10+s3], $0x400, $0x38;
	[tilespmem:$0x1FC20] =	vst v63  }
0x51: {  	s24 =	rddreg [dreg:$0x10]  }
0x52: {  	[tilespmem:s31], [sflag:$0x5] =	stream.linear.gather [hbm4b:s24+s3], $0x400, $0x38;
	[tilespmem:$0x1FC20] =	vst v63  }
0x53: {  	_ =	swait.ge [sflag:s28], $0x400  }
0x54: {  	[sflag:s28] =	ssyncset.done $0x0  }
0x55: {  	[sflag:s28] =	ssyncadd.s32 $0xFFFFFC00  }
0x56: {  	_ =	swait.ge [sflag:s28], $0x400  }
0x57: {  	[sflag:s28] =	ssyncset.done $0x0  }
0x58: {  	[sflag:s28] =	ssyncadd.s32 $0xFFFFFC00  }
0x59: {  	_ =	swait.ge [sflag:s28], $0x400  }
0x5a: {  	[sflag:s28] =	ssyncset.done $0x0  }
0x5b: {  	[sflag:s28] =	ssyncadd.s32 $0xFFFFFC00  }
0x5c: {  	[tilespmem:s18], [sflag:$0x1] =	stream.indirect.gather [hbm4b:s5+s0], $0x90, s29, s0, $0xb8;
	[tilespmem:$0x1FC20] =	vst v63  }
0x5d: {  	_ =	swait.ge [sflag:s4], $0x4800  }
0x5e: {  	[sflag:s4] =	ssyncset.done $0x0  }
0x5f: {  	s24 =	rddreg [dreg:$0x4];
	[sflag:s4] =	ssyncadd.s32 $0xFFFFB800  }
0x60: {  	[tilespmem:s14], [sflag:$0x2] =	stream.indirect.gather [hbm4b:s5+s0], $0x90, s24, s0, $0xb8;
	[tilespmem:$0x1FC20] =	vst v63  }
0x61: {  	v9 =	vld [tilespmem:$0x16820]  }
0x62: {  	v10 =	vld [tilespmem:$0x16830]  }
0x63: {  	v11 =	vld [tilespmem:$0x16840]  }
0x64: {  	v12 =	vld [tilespmem:$0x16850]  }
0x65: {  	v13 =	vld [tilespmem:$0x16860]  }
0x66: {  	[tilespmem:v1+s18+$0x0] =	vst.idx.msk $0xffff, v9;
	v9 =	vld [tilespmem:$0x16870]  }
0x67: {  	[tilespmem:v2+s18+$0x0] =	vst.idx.msk $0xffff, v10;
	v10 =	vld [tilespmem:$0x16880]  }
0x68: {  	[tilespmem:v3+s18+$0x0] =	vst.idx.msk $0xffff, v11;
	v11 =	vld [tilespmem:$0x16890]  }
0x69: {  	[tilespmem:v4+s18+$0x0] =	vst.idx.msk $0xffff, v12  }
0x6a: {  	[tilespmem:v5+s18+$0x0] =	vst.idx.msk $0xffff, v13  }
0x6b: {  	[tilespmem:v6+s18+$0x0] =	vst.idx.msk $0xffff, v9  }
0x6c: {  	[tilespmem:v7+s18+$0x0] =	vst.idx.msk $0xffff, v10  }
0x6d: {  	[tilespmem:v8+s18+$0x0] =	vst.idx.msk $0xffff, v11  }
0x6e: {  	[spmem:s2] =	stream.indirect.scatter.add.f32 [tilespmem:s18], [sflag:$0x3], $0x90, s31, s0, $0xb8;
	[tilespmem:$0x1FC20] =	vst v63  }
0x6f: {  	_ =	swait.ge [sflag:s19], $0x4800  }
0x70: {  	[sflag:s19] =	ssyncset.done $0x0  }
0x71: {  	[sflag:s19] =	ssyncadd.s32 $0xFFFFB800  }
0x72: {  	_ =	swait.ge [sflag:s25], $0x4800  }
0x73: {  	[sflag:s25] =	ssyncset.done $0x0  }
0x74: {  	s10 =	rddreg [dreg:$0x5];
	[sflag:s25] =	ssyncadd.s32 $0xFFFFB800  }
0x75: {  	[tilespmem:s18], [sflag:$0x1] =	stream.indirect.gather [hbm4b:s5+s0], $0x90, s10, s0, $0xb8;
	[tilespmem:$0x1FC20] =	vst v63  }
0x76: {  	v9 =	vld [tilespmem:$0x168A0]  }
0x77: {  	v10 =	vld [tilespmem:$0x168B0]  }
0x78: {  	v11 =	vld [tilespmem:$0x168C0]  }
0x79: {  	v50 =	vld [tilespmem:$0x168D0]  }
0x7a: {  	v51 =	vld [tilespmem:$0x168E0]  }
0x7b: {  	[tilespmem:v1+s14+$0x0] =	vst.idx.msk $0xffff, v9;
	v9 =	vld [tilespmem:$0x168F0]  }
0x7c: {  	[tilespmem:v2+s14+$0x0] =	vst.idx.msk $0xffff, v10;
	v10 =	vld [tilespmem:$0x16900]  }
0x7d: {  	[tilespmem:v3+s14+$0x0] =	vst.idx.msk $0xffff, v11;
	v11 =	vld [tilespmem:$0x16910]  }
0x7e: {  	[tilespmem:v4+s14+$0x0] =	vst.idx.msk $0xffff, v50  }
0x7f: {  	[tilespmem:v5+s14+$0x0] =	vst.idx.msk $0xffff, v51  }
0x80: {  	[tilespmem:v6+s14+$0x0] =	vst.idx.msk $0xffff, v9  }
0x81: {  	[tilespmem:v7+s14+$0x0] =	vst.idx.msk $0xffff, v10  }
0x82: {  	s9 =	rddreg [dreg:$0x6];
	[tilespmem:v8+s14+$0x0] =	vst.idx.msk $0xffff, v11  }
0x83: {  	[spmem:s2] =	stream.indirect.scatter.add.f32 [tilespmem:s14], [sflag:$0x4], $0x90, s9, s0, $0xb8;
	[tilespmem:$0x1FC20] =	vst v63  }
0x84: {  	_ =	swait.ge [sflag:s4], $0x4800  }
0x85: {  	[sflag:s4] =	ssyncset.done $0x0  }
0x86: {  	[sflag:s4] =	ssyncadd.s32 $0xFFFFB800  }
0x87: {  	_ =	swait.ge [sflag:s26], $0x4800  }
0x88: {  	[sflag:s26] =	ssyncset.done $0x0  }
0x89: {  	s10 =	rddreg [dreg:$0x7];
	[sflag:s26] =	ssyncadd.s32 $0xFFFFB800  }
0x8a: {  	[tilespmem:s14], [sflag:$0x2] =	stream.indirect.gather [hbm4b:s5+s0], $0x90, s10, s0, $0xb8;
	[tilespmem:$0x1FC20] =	vst v63  }
0x8b: {  	v9 =	vld [tilespmem:$0x16920]  }
0x8c: {  	v10 =	vld [tilespmem:$0x16930]  }
0x8d: {  	v11 =	vld [tilespmem:$0x16940]  }
0x8e: {  	v52 =	vld [tilespmem:$0x16950]  }
0x8f: {  	v53 =	vld [tilespmem:$0x16960]  }
0x90: {  	[tilespmem:v1+s18+$0x0] =	vst.idx.msk $0xffff, v9;
	v9 =	vld [tilespmem:$0x16970]  }
0x91: {  	[tilespmem:v2+s18+$0x0] =	vst.idx.msk $0xffff, v10;
	v10 =	vld [tilespmem:$0x16980]  }
0x92: {  	[tilespmem:v3+s18+$0x0] =	vst.idx.msk $0xffff, v11;
	v11 =	vld [tilespmem:$0x16990]  }
0x93: {  	[tilespmem:v4+s18+$0x0] =	vst.idx.msk $0xffff, v52  }
0x94: {  	[tilespmem:v5+s18+$0x0] =	vst.idx.msk $0xffff, v53  }
0x95: {  	[tilespmem:v6+s18+$0x0] =	vst.idx.msk $0xffff, v9  }
0x96: {  	[tilespmem:v7+s18+$0x0] =	vst.idx.msk $0xffff, v10  }
0x97: {  	s9 =	rddreg [dreg:$0x8];
	[tilespmem:v8+s18+$0x0] =	vst.idx.msk $0xffff, v11  }
0x98: {  	[spmem:s2] =	stream.indirect.scatter.add.f32 [tilespmem:s18], [sflag:$0x3], $0x90, s9, s0, $0xb8;
	[tilespmem:$0x1FC20] =	vst v63  }
0x99: {  	_ =	swait.ge [sflag:s19], $0x4800  }
0x9a: {  	[sflag:s19] =	ssyncset.done $0x0  }
0x9b: {  	[sflag:s19] =	ssyncadd.s32 $0xFFFFB800  }
0x9c: {  	_ =	swait.ge [sflag:s25], $0x4800  }
0x9d: {  	[sflag:s25] =	ssyncset.done $0x0  }
0x9e: {  	s10 =	rddreg [dreg:$0x9];
	[sflag:s25] =	ssyncadd.s32 $0xFFFFB800  }
0x9f: {  	[tilespmem:s18], [sflag:$0x1] =	stream.indirect.gather [hbm4b:s5+s0], $0x90, s10, s0, $0xb8;
	[tilespmem:$0x1FC20] =	vst v63  }
0xa0: {  	v9 =	vld [tilespmem:$0x169A0]  }
0xa1: {  	v10 =	vld [tilespmem:$0x169B0]  }
0xa2: {  	v11 =	vld [tilespmem:$0x169C0]  }
0xa3: {  	v54 =	vld [tilespmem:$0x169D0]  }
0xa4: {  	v55 =	vld [tilespmem:$0x169E0]  }
0xa5: {  	[tilespmem:v1+s14+$0x0] =	vst.idx.msk $0xffff, v9;
	v9 =	vld [tilespmem:$0x169F0]  }
0xa6: {  	[tilespmem:v2+s14+$0x0] =	vst.idx.msk $0xffff, v10;
	v10 =	vld [tilespmem:$0x16A00]  }
0xa7: {  	[tilespmem:v3+s14+$0x0] =	vst.idx.msk $0xffff, v11;
	v11 =	vld [tilespmem:$0x16A10]  }
0xa8: {  	[tilespmem:v4+s14+$0x0] =	vst.idx.msk $0xffff, v54  }
0xa9: {  	[tilespmem:v5+s14+$0x0] =	vst.idx.msk $0xffff, v55  }
0xaa: {  	[tilespmem:v6+s14+$0x0] =	vst.idx.msk $0xffff, v9  }
0xab: {  	[tilespmem:v7+s14+$0x0] =	vst.idx.msk $0xffff, v10  }
0xac: {  	s9 =	rddreg [dreg:$0xa];
	[tilespmem:v8+s14+$0x0] =	vst.idx.msk $0xffff, v11  }
0xad: {  	[spmem:s2] =	stream.indirect.scatter.add.f32 [tilespmem:s14], [sflag:$0x4], $0x90, s9, s0, $0xb8;
	[tilespmem:$0x1FC20] =	vst v63  }
0xae: {  	_ =	swait.ge [sflag:s4], $0x4800  }
0xaf: {  	[sflag:s4] =	ssyncset.done $0x0  }
0xb0: {  	[sflag:s4] =	ssyncadd.s32 $0xFFFFB800  }
0xb1: {  	_ =	swait.ge [sflag:s26], $0x4800  }
0xb2: {  	[sflag:s26] =	ssyncset.done $0x0  }
0xb3: {  	s10 =	rddreg [dreg:$0xb];
	[sflag:s26] =	ssyncadd.s32 $0xFFFFB800  }
0xb4: {  	[tilespmem:s14], [sflag:$0x2] =	stream.indirect.gather [hbm4b:s5+s0], $0x90, s10, s0, $0xb8;
	[tilespmem:$0x1FC20] =	vst v63  }
0xb5: {  	v9 =	vld [tilespmem:$0x16A20]  }
0xb6: {  	v10 =	vld [tilespmem:$0x16A30]  }
0xb7: {  	v11 =	vld [tilespmem:$0x16A40]  }
0xb8: {  	v56 =	vld [tilespmem:$0x16A50]  }
0xb9: {  	v57 =	vld [tilespmem:$0x16A60]  }
0xba: {  	[tilespmem:v1+s18+$0x0] =	vst.idx.msk $0xffff, v9;
	v9 =	vld [tilespmem:$0x16A70]  }
0xbb: {  	[tilespmem:v2+s18+$0x0] =	vst.idx.msk $0xffff, v10;
	v10 =	vld [tilespmem:$0x16A80]  }
0xbc: {  	[tilespmem:v3+s18+$0x0] =	vst.idx.msk $0xffff, v11;
	v11 =	vld [tilespmem:$0x16A90]  }
0xbd: {  	[tilespmem:v4+s18+$0x0] =	vst.idx.msk $0xffff, v56  }
0xbe: {  	[tilespmem:v5+s18+$0x0] =	vst.idx.msk $0xffff, v57  }
0xbf: {  	[tilespmem:v6+s18+$0x0] =	vst.idx.msk $0xffff, v9  }
0xc0: {  	[tilespmem:v7+s18+$0x0] =	vst.idx.msk $0xffff, v10  }
0xc1: {  	[tilespmem:v8+s18+$0x0] =	vst.idx.msk $0xffff, v11  }
0xc2: {  	[spmem:s2] =	stream.indirect.scatter.add.f32 [tilespmem:s18], [sflag:$0x3], $0x90, s15, s0, $0xb8;
	[tilespmem:$0x1FC20] =	vst v63  }
0xc3: {  	_ =	swait.ge [sflag:s19], $0x4800  }
0xc4: {  	[sflag:s19] =	ssyncset.done $0x0  }
0xc5: {  	[sflag:s19] =	ssyncadd.s32 $0xFFFFB800  }
0xc6: {  	_ =	swait.ge [sflag:s25], $0x4800  }
0xc7: {  	[sflag:s25] =	ssyncset.done $0x0  }
0xc8: {  	[sflag:s25] =	ssyncadd.s32 $0xFFFFB800  }
0xc9: {  	[tilespmem:s18], [sflag:$0x1] =	stream.indirect.gather [hbm4b:s5+s0], $0x90, s16, s0, $0xb8;
	[tilespmem:$0x1FC20] =	vst v63  }
0xca: {  	v9 =	vld [tilespmem:$0x16AA0]  }
0xcb: {  	v10 =	vld [tilespmem:$0x16AB0]  }
0xcc: {  	v11 =	vld [tilespmem:$0x16AC0]  }
0xcd: {  	v58 =	vld [tilespmem:$0x16AD0]  }
0xce: {  	v59 =	vld [tilespmem:$0x16AE0]  }
0xcf: {  	[tilespmem:v1+s14+$0x0] =	vst.idx.msk $0xffff, v9;
	v9 =	vld [tilespmem:$0x16AF0]  }
0xd0: {  	[tilespmem:v2+s14+$0x0] =	vst.idx.msk $0xffff, v10;
	v10 =	vld [tilespmem:$0x16B00]  }
0xd1: {  	[tilespmem:v3+s14+$0x0] =	vst.idx.msk $0xffff, v11;
	v11 =	vld [tilespmem:$0x16B10]  }
0xd2: {  	[tilespmem:v4+s14+$0x0] =	vst.idx.msk $0xffff, v58  }
0xd3: {  	[tilespmem:v5+s14+$0x0] =	vst.idx.msk $0xffff, v59  }
0xd4: {  	[tilespmem:v6+s14+$0x0] =	vst.idx.msk $0xffff, v9  }
0xd5: {  	[tilespmem:v7+s14+$0x0] =	vst.idx.msk $0xffff, v10  }
0xd6: {  	[tilespmem:v8+s14+$0x0] =	vst.idx.msk $0xffff, v11  }
0xd7: {  	[spmem:s2] =	stream.indirect.scatter.add.f32 [tilespmem:s14], [sflag:$0x4], $0x90, s17, s0, $0xb8;
	[tilespmem:$0x1FC20] =	vst v63  }
0xd8: {  	_ =	swait.ge [sflag:s4], $0x4800  }
0xd9: {  	[sflag:s4] =	ssyncset.done $0x0  }
0xda: {  	[sflag:s4] =	ssyncadd.s32 $0xFFFFB800  }
0xdb: {  	_ =	swait.ge [sflag:s26], $0x4800  }
0xdc: {  	[sflag:s26] =	ssyncset.done $0x0  }
0xdd: {  	[sflag:s26] =	ssyncadd.s32 $0xFFFFB800  }
0xde: {  	[tilespmem:s14], [sflag:$0x2] =	stream.indirect.gather [hbm4b:s5+s0], $0x90, s20, s0, $0xb8;
	[tilespmem:$0x1FC20] =	vst v63  }
0xdf: {  	v9 =	vld [tilespmem:$0x16B20]  }
0xe0: {  	v10 =	vld [tilespmem:$0x16B30]  }
0xe1: {  	v11 =	vld [tilespmem:$0x16B40]  }
0xe2: {  	v60 =	vld [tilespmem:$0x16B50]  }
0xe3: {  	v61 =	vld [tilespmem:$0x16B60]  }
0xe4: {  	[tilespmem:v1+s18+$0x0] =	vst.idx.msk $0xffff, v9;
	v9 =	vld [tilespmem:$0x16B70]  }
0xe5: {  	[tilespmem:v2+s18+$0x0] =	vst.idx.msk $0xffff, v10;
	v10 =	vld [tilespmem:$0x16B80]  }
0xe6: {  	[tilespmem:v3+s18+$0x0] =	vst.idx.msk $0xffff, v11;
	v11 =	vld [tilespmem:$0x16B90]  }
0xe7: {  	[tilespmem:v4+s18+$0x0] =	vst.idx.msk $0xffff, v60  }
0xe8: {  	[tilespmem:v5+s18+$0x0] =	vst.idx.msk $0xffff, v61  }
0xe9: {  	[tilespmem:v6+s18+$0x0] =	vst.idx.msk $0xffff, v9  }
0xea: {  	[tilespmem:v7+s18+$0x0] =	vst.idx.msk $0xffff, v10  }
0xeb: {  	[tilespmem:v8+s18+$0x0] =	vst.idx.msk $0xffff, v11  }
0xec: {  	[spmem:s2] =	stream.indirect.scatter.add.f32 [tilespmem:s18], [sflag:$0x3], $0x90, s21, s0, $0xb8;
	[tilespmem:$0x1FC20] =	vst v63  }
0xed: {  	_ =	swait.ge [sflag:s19], $0x4800  }
0xee: {  	[sflag:s19] =	ssyncset.done $0x0  }
0xef: {  	[sflag:s19] =	ssyncadd.s32 $0xFFFFB800  }
0xf0: {  	v9 =	vld [tilespmem:$0x16BA0]  }
0xf1: {  	v10 =	vld [tilespmem:$0x16BB0]  }
0xf2: {  	v11 =	vld [tilespmem:$0x16BC0]  }
0xf3: {  	v62 =	vld [tilespmem:$0x16BD0]  }
0xf4: {  	v63 =	vld [tilespmem:$0x16BE0]  }
0xf5: {  	[tilespmem:v1+s14+$0x0] =	vst.idx.msk $0xffff, v9;
	v9 =	vld [tilespmem:$0x16BF0]  }
0xf6: {  	[tilespmem:v2+s14+$0x0] =	vst.idx.msk $0xffff, v10;
	v10 =	vld [tilespmem:$0x16C00]  }
0xf7: {  	[tilespmem:v3+s14+$0x0] =	vst.idx.msk $0xffff, v11;
	v11 =	vld [tilespmem:$0x16C10]  }
0xf8: {  	[tilespmem:v4+s14+$0x0] =	vst.idx.msk $0xffff, v62  }
0xf9: {  	s8 =	smin.u32 s8, $0x13;
	[tilespmem:v5+s14+$0x0] =	vst.idx.msk $0xffff, v63  }
0xfa: {  	s8 =	sshll.u32 s8, $0x7;
	[tilespmem:v6+s14+$0x0] =	vst.idx.msk $0xffff, v9  }
0xfb: {  	s8 =	sadd.s32 s11, s8;
	[tilespmem:v7+s14+$0x0] =	vst.idx.msk $0xffff, v10  }
0xfc: {  	s9 =	sadd.s32 s1, s8;
	[tilespmem:v8+s14+$0x0] =	vst.idx.msk $0xffff, v11  }
0xfd: {  	[tilespmem:s29], [sflag:$0x5] =	stream.linear.gather [hbm4b:s9+s3], $0x400, $0x38;
	[tilespmem:$0x1FC20] =	vst v63  }
0xfe: {  	s10 =	sadd.s32 s7, s8  }
0xff: {  	[tilespmem:s30], [sflag:$0x5] =	stream.linear.gather [hbm4b:s10+s3], $0x400, $0x38;
	[tilespmem:$0x1FC20] =	vst v63  }
0x100: {  	_ = 	snop  }
0x101: {  	[spmem:s2] =	stream.indirect.scatter.add.f32 [tilespmem:s14], [sflag:$0x4], $0x90, s22, s0, $0xb8;
	[tilespmem:$0x1FC20] =	vst v63  }
0x102: {  	_ =	swait.ge [sflag:s25], $0x4800  }
0x103: {  	[sflag:s25] =	ssyncset.done $0x0  }
0x104: {  	[sflag:s25] =	ssyncadd.s32 $0xFFFFB800  }
0x105: {  	_ =	swait.ge [sflag:s26], $0x4800  }
0x106: {  	[sflag:s26] =	ssyncset.done $0x0  }
0x107: {  	s24 =	simm.s32 $0x2;
	s8 =	sadd.s32 s6, s8;
	[sflag:s26] =	ssyncadd.s32 $0xFFFFB800  }
.LBB2_4:
0x108: {  	[tilespmem:s31], [sflag:$0x5] =	stream.linear.gather [hbm4b:s8+s3], $0x400, $0x38;
	[tilespmem:$0x1FC20] =	vst v63  }
0x109: {  	_ =	swait.ge [sflag:s28], $0x400  }
0x10a: {  	[sflag:s28] =	ssyncset.done $0x0  }
0x10b: {  	[sflag:s28] =	ssyncadd.s32 $0xFFFFFC00  }
0x10c: {  	_ =	swait.ge [sflag:s28], $0x400  }
0x10d: {  	[sflag:s28] =	ssyncset.done $0x0  }
0x10e: {  	[sflag:s28] =	ssyncadd.s32 $0xFFFFFC00  }
0x10f: {  	_ =	swait.ge [sflag:s28], $0x400  }
0x110: {  	[sflag:s28] =	ssyncset.done $0x0  }
0x111: {  	[sflag:s28] =	ssyncadd.s32 $0xFFFFFC00  }
0x112: {  	[tilespmem:s18], [sflag:$0x1] =	stream.indirect.gather [hbm4b:s5+s0], $0x90, s29, s0, $0xb8;
	[tilespmem:$0x1FC20] =	vst v63  }
0x113: {  	_ =	swait.ge [sflag:s4], $0x4800  }
0x114: {  	[sflag:s4] =	ssyncset.done $0x0  }
0x115: {  	s9 =	rddreg [dreg:$0x4];
	[sflag:s4] =	ssyncadd.s32 $0xFFFFB800  }
0x116: {  	[tilespmem:s14], [sflag:$0x2] =	stream.indirect.gather [hbm4b:s5+s0], $0x90, s9, s0, $0xb8;
	[tilespmem:$0x1FC20] =	vst v63  }
0x117: {  	v9 =	vld [tilespmem:$0x16820]  }
0x118: {  	v10 =	vld [tilespmem:$0x16830]  }
0x119: {  	v11 =	vld [tilespmem:$0x16840]  }
0x11a: {  	v12 =	vld [tilespmem:$0x16850]  }
0x11b: {  	v13 =	vld [tilespmem:$0x16860]  }
0x11c: {  	[tilespmem:v1+s18+$0x0] =	vst.idx.msk $0xffff, v9;
	v9 =	vld [tilespmem:$0x16870]  }
0x11d: {  	[tilespmem:v2+s18+$0x0] =	vst.idx.msk $0xffff, v10;
	v10 =	vld [tilespmem:$0x16880]  }
0x11e: {  	[tilespmem:v3+s18+$0x0] =	vst.idx.msk $0xffff, v11;
	v11 =	vld [tilespmem:$0x16890]  }
0x11f: {  	[tilespmem:v4+s18+$0x0] =	vst.idx.msk $0xffff, v12  }
0x120: {  	[tilespmem:v5+s18+$0x0] =	vst.idx.msk $0xffff, v13  }
0x121: {  	[tilespmem:v6+s18+$0x0] =	vst.idx.msk $0xffff, v9  }
0x122: {  	[tilespmem:v7+s18+$0x0] =	vst.idx.msk $0xffff, v10  }
0x123: {  	[tilespmem:v8+s18+$0x0] =	vst.idx.msk $0xffff, v11  }
0x124: {  	[spmem:s2] =	stream.indirect.scatter.add.f32 [tilespmem:s18], [sflag:$0x3], $0x90, s31, s0, $0xb8;
	[tilespmem:$0x1FC20] =	vst v63  }
0x125: {  	_ =	swait.ge [sflag:s19], $0x4800  }
0x126: {  	[sflag:s19] =	ssyncset.done $0x0  }
0x127: {  	[sflag:s19] =	ssyncadd.s32 $0xFFFFB800  }
0x128: {  	_ =	swait.ge [sflag:s25], $0x4800  }
0x129: {  	[sflag:s25] =	ssyncset.done $0x0  }
0x12a: {  	s10 =	rddreg [dreg:$0x5];
	[sflag:s25] =	ssyncadd.s32 $0xFFFFB800  }
0x12b: {  	[tilespmem:s18], [sflag:$0x1] =	stream.indirect.gather [hbm4b:s5+s0], $0x90, s10, s0, $0xb8;
	[tilespmem:$0x1FC20] =	vst v63  }
0x12c: {  	v9 =	vld [tilespmem:$0x168A0]  }
0x12d: {  	v10 =	vld [tilespmem:$0x168B0]  }
0x12e: {  	v11 =	vld [tilespmem:$0x168C0]  }
0x12f: {  	v50 =	vld [tilespmem:$0x168D0]  }
0x130: {  	v51 =	vld [tilespmem:$0x168E0]  }
0x131: {  	[tilespmem:v1+s14+$0x0] =	vst.idx.msk $0xffff, v9;
	v9 =	vld [tilespmem:$0x168F0]  }
0x132: {  	[tilespmem:v2+s14+$0x0] =	vst.idx.msk $0xffff, v10;
	v10 =	vld [tilespmem:$0x16900]  }
0x133: {  	[tilespmem:v3+s14+$0x0] =	vst.idx.msk $0xffff, v11;
	v11 =	vld [tilespmem:$0x16910]  }
0x134: {  	[tilespmem:v4+s14+$0x0] =	vst.idx.msk $0xffff, v50  }
0x135: {  	[tilespmem:v5+s14+$0x0] =	vst.idx.msk $0xffff, v51  }
0x136: {  	[tilespmem:v6+s14+$0x0] =	vst.idx.msk $0xffff, v9  }
0x137: {  	[tilespmem:v7+s14+$0x0] =	vst.idx.msk $0xffff, v10  }
0x138: {  	s10 =	rddreg [dreg:$0x6];
	[tilespmem:v8+s14+$0x0] =	vst.idx.msk $0xffff, v11  }
0x139: {  	[spmem:s2] =	stream.indirect.scatter.add.f32 [tilespmem:s14], [sflag:$0x4], $0x90, s10, s0, $0xb8;
	[tilespmem:$0x1FC20] =	vst v63  }
0x13a: {  	_ =	swait.ge [sflag:s4], $0x4800  }
0x13b: {  	[sflag:s4] =	ssyncset.done $0x0  }
0x13c: {  	[sflag:s4] =	ssyncadd.s32 $0xFFFFB800  }
0x13d: {  	_ =	swait.ge [sflag:s26], $0x4800  }
0x13e: {  	[sflag:s26] =	ssyncset.done $0x0  }
0x13f: {  	s10 =	rddreg [dreg:$0x7];
	[sflag:s26] =	ssyncadd.s32 $0xFFFFB800  }
0x140: {  	[tilespmem:s14], [sflag:$0x2] =	stream.indirect.gather [hbm4b:s5+s0], $0x90, s10, s0, $0xb8;
	[tilespmem:$0x1FC20] =	vst v63  }
0x141: {  	v9 =	vld [tilespmem:$0x16920]  }
0x142: {  	v10 =	vld [tilespmem:$0x16930]  }
0x143: {  	v11 =	vld [tilespmem:$0x16940]  }
0x144: {  	v52 =	vld [tilespmem:$0x16950]  }
0x145: {  	v53 =	vld [tilespmem:$0x16960]  }
0x146: {  	[tilespmem:v1+s18+$0x0] =	vst.idx.msk $0xffff, v9;
	v9 =	vld [tilespmem:$0x16970]  }
0x147: {  	[tilespmem:v2+s18+$0x0] =	vst.idx.msk $0xffff, v10;
	v10 =	vld [tilespmem:$0x16980]  }
0x148: {  	[tilespmem:v3+s18+$0x0] =	vst.idx.msk $0xffff, v11;
	v11 =	vld [tilespmem:$0x16990]  }
0x149: {  	[tilespmem:v4+s18+$0x0] =	vst.idx.msk $0xffff, v52  }
0x14a: {  	[tilespmem:v5+s18+$0x0] =	vst.idx.msk $0xffff, v53  }
0x14b: {  	[tilespmem:v6+s18+$0x0] =	vst.idx.msk $0xffff, v9  }
0x14c: {  	[tilespmem:v7+s18+$0x0] =	vst.idx.msk $0xffff, v10  }
0x14d: {  	s10 =	rddreg [dreg:$0x8];
	[tilespmem:v8+s18+$0x0] =	vst.idx.msk $0xffff, v11  }
0x14e: {  	[spmem:s2] =	stream.indirect.scatter.add.f32 [tilespmem:s18], [sflag:$0x3], $0x90, s10, s0, $0xb8;
	[tilespmem:$0x1FC20] =	vst v63  }
0x14f: {  	_ =	swait.ge [sflag:s19], $0x4800  }
0x150: {  	[sflag:s19] =	ssyncset.done $0x0  }
0x151: {  	[sflag:s19] =	ssyncadd.s32 $0xFFFFB800  }
0x152: {  	_ =	swait.ge [sflag:s25], $0x4800  }
0x153: {  	[sflag:s25] =	ssyncset.done $0x0  }
0x154: {  	s10 =	rddreg [dreg:$0x9];
	[sflag:s25] =	ssyncadd.s32 $0xFFFFB800  }
0x155: {  	[tilespmem:s18], [sflag:$0x1] =	stream.indirect.gather [hbm4b:s5+s0], $0x90, s10, s0, $0xb8;
	[tilespmem:$0x1FC20] =	vst v63  }
0x156: {  	v9 =	vld [tilespmem:$0x169A0]  }
0x157: {  	v10 =	vld [tilespmem:$0x169B0]  }
0x158: {  	v11 =	vld [tilespmem:$0x169C0]  }
0x159: {  	v54 =	vld [tilespmem:$0x169D0]  }
0x15a: {  	v55 =	vld [tilespmem:$0x169E0]  }
0x15b: {  	[tilespmem:v1+s14+$0x0] =	vst.idx.msk $0xffff, v9;
	v9 =	vld [tilespmem:$0x169F0]  }
0x15c: {  	[tilespmem:v2+s14+$0x0] =	vst.idx.msk $0xffff, v10;
	v10 =	vld [tilespmem:$0x16A00]  }
0x15d: {  	[tilespmem:v3+s14+$0x0] =	vst.idx.msk $0xffff, v11;
	v11 =	vld [tilespmem:$0x16A10]  }
0x15e: {  	[tilespmem:v4+s14+$0x0] =	vst.idx.msk $0xffff, v54  }
0x15f: {  	[tilespmem:v5+s14+$0x0] =	vst.idx.msk $0xffff, v55  }
0x160: {  	[tilespmem:v6+s14+$0x0] =	vst.idx.msk $0xffff, v9  }
0x161: {  	[tilespmem:v7+s14+$0x0] =	vst.idx.msk $0xffff, v10  }
0x162: {  	s10 =	rddreg [dreg:$0xa];
	[tilespmem:v8+s14+$0x0] =	vst.idx.msk $0xffff, v11  }
0x163: {  	[spmem:s2] =	stream.indirect.scatter.add.f32 [tilespmem:s14], [sflag:$0x4], $0x90, s10, s0, $0xb8;
	[tilespmem:$0x1FC20] =	vst v63  }
0x164: {  	_ =	swait.ge [sflag:s4], $0x4800  }
0x165: {  	[sflag:s4] =	ssyncset.done $0x0  }
0x166: {  	[sflag:s4] =	ssyncadd.s32 $0xFFFFB800  }
0x167: {  	_ =	swait.ge [sflag:s26], $0x4800  }
0x168: {  	[sflag:s26] =	ssyncset.done $0x0  }
0x169: {  	s10 =	rddreg [dreg:$0xb];
	[sflag:s26] =	ssyncadd.s32 $0xFFFFB800  }
0x16a: {  	[tilespmem:s14], [sflag:$0x2] =	stream.indirect.gather [hbm4b:s5+s0], $0x90, s10, s0, $0xb8;
	[tilespmem:$0x1FC20] =	vst v63  }
0x16b: {  	v9 =	vld [tilespmem:$0x16A20]  }
0x16c: {  	v10 =	vld [tilespmem:$0x16A30]  }
0x16d: {  	v11 =	vld [tilespmem:$0x16A40]  }
0x16e: {  	v56 =	vld [tilespmem:$0x16A50]  }
0x16f: {  	v57 =	vld [tilespmem:$0x16A60]  }
0x170: {  	[tilespmem:v1+s18+$0x0] =	vst.idx.msk $0xffff, v9;
	v9 =	vld [tilespmem:$0x16A70]  }
0x171: {  	[tilespmem:v2+s18+$0x0] =	vst.idx.msk $0xffff, v10;
	v10 =	vld [tilespmem:$0x16A80]  }
0x172: {  	[tilespmem:v3+s18+$0x0] =	vst.idx.msk $0xffff, v11;
	v11 =	vld [tilespmem:$0x16A90]  }
0x173: {  	[tilespmem:v4+s18+$0x0] =	vst.idx.msk $0xffff, v56  }
0x174: {  	[tilespmem:v5+s18+$0x0] =	vst.idx.msk $0xffff, v57  }
0x175: {  	[tilespmem:v6+s18+$0x0] =	vst.idx.msk $0xffff, v9  }
0x176: {  	[tilespmem:v7+s18+$0x0] =	vst.idx.msk $0xffff, v10  }
0x177: {  	[tilespmem:v8+s18+$0x0] =	vst.idx.msk $0xffff, v11  }
0x178: {  	[spmem:s2] =	stream.indirect.scatter.add.f32 [tilespmem:s18], [sflag:$0x3], $0x90, s15, s0, $0xb8;
	[tilespmem:$0x1FC20] =	vst v63  }
0x179: {  	_ =	swait.ge [sflag:s19], $0x4800  }
0x17a: {  	[sflag:s19] =	ssyncset.done $0x0  }
0x17b: {  	[sflag:s19] =	ssyncadd.s32 $0xFFFFB800  }
0x17c: {  	_ =	swait.ge [sflag:s25], $0x4800  }
0x17d: {  	[sflag:s25] =	ssyncset.done $0x0  }
0x17e: {  	[sflag:s25] =	ssyncadd.s32 $0xFFFFB800  }
0x17f: {  	[tilespmem:s18], [sflag:$0x1] =	stream.indirect.gather [hbm4b:s5+s0], $0x90, s16, s0, $0xb8;
	[tilespmem:$0x1FC20] =	vst v63  }
0x180: {  	v9 =	vld [tilespmem:$0x16AA0]  }
0x181: {  	v10 =	vld [tilespmem:$0x16AB0]  }
0x182: {  	v11 =	vld [tilespmem:$0x16AC0]  }
0x183: {  	v58 =	vld [tilespmem:$0x16AD0]  }
0x184: {  	v59 =	vld [tilespmem:$0x16AE0]  }
0x185: {  	[tilespmem:v1+s14+$0x0] =	vst.idx.msk $0xffff, v9;
	v9 =	vld [tilespmem:$0x16AF0]  }
0x186: {  	[tilespmem:v2+s14+$0x0] =	vst.idx.msk $0xffff, v10;
	v10 =	vld [tilespmem:$0x16B00]  }
0x187: {  	[tilespmem:v3+s14+$0x0] =	vst.idx.msk $0xffff, v11;
	v11 =	vld [tilespmem:$0x16B10]  }
0x188: {  	[tilespmem:v4+s14+$0x0] =	vst.idx.msk $0xffff, v58  }
0x189: {  	[tilespmem:v5+s14+$0x0] =	vst.idx.msk $0xffff, v59  }
0x18a: {  	[tilespmem:v6+s14+$0x0] =	vst.idx.msk $0xffff, v9  }
0x18b: {  	[tilespmem:v7+s14+$0x0] =	vst.idx.msk $0xffff, v10  }
0x18c: {  	[tilespmem:v8+s14+$0x0] =	vst.idx.msk $0xffff, v11  }
0x18d: {  	[spmem:s2] =	stream.indirect.scatter.add.f32 [tilespmem:s14], [sflag:$0x4], $0x90, s17, s0, $0xb8;
	[tilespmem:$0x1FC20] =	vst v63  }
0x18e: {  	_ =	swait.ge [sflag:s4], $0x4800  }
0x18f: {  	[sflag:s4] =	ssyncset.done $0x0  }
0x190: {  	[sflag:s4] =	ssyncadd.s32 $0xFFFFB800  }
0x191: {  	_ =	swait.ge [sflag:s26], $0x4800  }
0x192: {  	[sflag:s26] =	ssyncset.done $0x0  }
0x193: {  	[sflag:s26] =	ssyncadd.s32 $0xFFFFB800  }
0x194: {  	[tilespmem:s14], [sflag:$0x2] =	stream.indirect.gather [hbm4b:s5+s0], $0x90, s20, s0, $0xb8;
	[tilespmem:$0x1FC20] =	vst v63  }
0x195: {  	v9 =	vld [tilespmem:$0x16B20]  }
0x196: {  	v10 =	vld [tilespmem:$0x16B30]  }
0x197: {  	v11 =	vld [tilespmem:$0x16B40]  }
0x198: {  	v60 =	vld [tilespmem:$0x16B50]  }
0x199: {  	v61 =	vld [tilespmem:$0x16B60]  }
0x19a: {  	[tilespmem:v1+s18+$0x0] =	vst.idx.msk $0xffff, v9;
	v9 =	vld [tilespmem:$0x16B70]  }
0x19b: {  	[tilespmem:v2+s18+$0x0] =	vst.idx.msk $0xffff, v10;
	v10 =	vld [tilespmem:$0x16B80]  }
0x19c: {  	[tilespmem:v3+s18+$0x0] =	vst.idx.msk $0xffff, v11;
	v11 =	vld [tilespmem:$0x16B90]  }
0x19d: {  	[tilespmem:v4+s18+$0x0] =	vst.idx.msk $0xffff, v60  }
0x19e: {  	[tilespmem:v5+s18+$0x0] =	vst.idx.msk $0xffff, v61  }
0x19f: {  	[tilespmem:v6+s18+$0x0] =	vst.idx.msk $0xffff, v9  }
0x1a0: {  	[tilespmem:v7+s18+$0x0] =	vst.idx.msk $0xffff, v10  }
0x1a1: {  	[tilespmem:v8+s18+$0x0] =	vst.idx.msk $0xffff, v11  }
0x1a2: {  	[spmem:s2] =	stream.indirect.scatter.add.f32 [tilespmem:s18], [sflag:$0x3], $0x90, s21, s0, $0xb8;
	[tilespmem:$0x1FC20] =	vst v63  }
0x1a3: {  	_ =	swait.ge [sflag:s19], $0x4800  }
0x1a4: {  	[sflag:s19] =	ssyncset.done $0x0  }
0x1a5: {  	[sflag:s19] =	ssyncadd.s32 $0xFFFFB800  }
0x1a6: {  	v9 =	vld [tilespmem:$0x16BA0]  }
0x1a7: {  	v10 =	vld [tilespmem:$0x16BB0]  }
0x1a8: {  	v11 =	vld [tilespmem:$0x16BC0]  }
0x1a9: {  	v62 =	vld [tilespmem:$0x16BD0]  }
0x1aa: {  	v63 =	vld [tilespmem:$0x16BE0]  }
0x1ab: {  	[tilespmem:v1+s14+$0x0] =	vst.idx.msk $0xffff, v9;
	v9 =	vld [tilespmem:$0x16BF0]  }
0x1ac: {  	[tilespmem:v2+s14+$0x0] =	vst.idx.msk $0xffff, v10;
	v10 =	vld [tilespmem:$0x16C00]  }
0x1ad: {  	[tilespmem:v3+s14+$0x0] =	vst.idx.msk $0xffff, v11;
	v11 =	vld [tilespmem:$0x16C10]  }
0x1ae: {  	s8 =	smov.u32 s24;
	[tilespmem:v4+s14+$0x0] =	vst.idx.msk $0xffff, v62  }
0x1af: {  	s8 =	smin.u32 s8, $0x13;
	[tilespmem:v5+s14+$0x0] =	vst.idx.msk $0xffff, v63  }
0x1b0: {  	s8 =	sshll.u32 s8, $0x7;
	[tilespmem:v6+s14+$0x0] =	vst.idx.msk $0xffff, v9  }
0x1b1: {  	s8 =	sadd.s32 s11, s8;
	[tilespmem:v7+s14+$0x0] =	vst.idx.msk $0xffff, v10  }
0x1b2: {  	s10 =	sadd.s32 s1, s8;
	[tilespmem:v8+s14+$0x0] =	vst.idx.msk $0xffff, v11  }
0x1b3: {  	[tilespmem:s29], [sflag:$0x5] =	stream.linear.gather [hbm4b:s10+s3], $0x400, $0x38;
	[tilespmem:$0x1FC20] =	vst v63  }
0x1b4: {  	s10 =	sadd.s32 s7, s8  }
0x1b5: {  	[tilespmem:s30], [sflag:$0x5] =	stream.linear.gather [hbm4b:s10+s3], $0x400, $0x38;
	[tilespmem:$0x1FC20] =	vst v63  }
0x1b6: {  	_ = 	snop  }
0x1b7: {  	[spmem:s2] =	stream.indirect.scatter.add.f32 [tilespmem:s14], [sflag:$0x4], $0x90, s22, s0, $0xb8;
	[tilespmem:$0x1FC20] =	vst v63  }
0x1b8: {  	p0 =	sne.s32 s24, $0x14;
	_ =	swait.ge [sflag:s25], $0x4800  }
.Ltmp1:
0x1b9: {  	[sflag:s25] =	ssyncset.done $0x0;
	(pc) =	sbr.rel @p0 .LBB2_4-.Ltmp1, $4  }
0x1ba: {  	[sflag:s25] =	ssyncadd.s32 $0xFFFFB800  }
0x1bb: {  	_ =	swait.ge [sflag:s26], $0x4800  }
0x1bc: {  	[sflag:s26] =	ssyncset.done $0x0  }
0x1bd: {  	s24 =	sadd.s32 $0x1, s24;
	s8 =	sadd.s32 s6, s8;
	[sflag:s26] =	ssyncadd.s32 $0xFFFFB800  }
0x1be: {  	[tilespmem:s31], [sflag:$0x5] =	stream.linear.gather [hbm4b:s8+s3], $0x400, $0x38;
	[tilespmem:$0x1FC20] =	vst v63  }
0x1bf: {  	_ =	swait.ge [sflag:s28], $0x400  }
0x1c0: {  	[sflag:s28] =	ssyncset.done $0x0  }
0x1c1: {  	[sflag:s28] =	ssyncadd.s32 $0xFFFFFC00  }
0x1c2: {  	_ =	swait.ge [sflag:s28], $0x400  }
0x1c3: {  	[sflag:s28] =	ssyncset.done $0x0  }
0x1c4: {  	[sflag:s28] =	ssyncadd.s32 $0xFFFFFC00  }
0x1c5: {  	_ =	swait.ge [sflag:s28], $0x400  }
0x1c6: {  	[sflag:s28] =	ssyncset.done $0x0  }
0x1c7: {  	[sflag:s28] =	ssyncadd.s32 $0xFFFFFC00  }
0x1c8: {  	s10 =	stileid.u32;
	[bflag:$0x0] =	sbarrier.arrive $0xFFFF  }
0x1c9: {  	s8 =	sshll.u32 s10, $0x6;
	s24 =	rddreg [dreg:$0xc]  }
0x1ca: {  	s9 =	sor.u32 $0x1C01, s8;
	s10 =	rddreg [dreg:$0x12];
	s24 =	sshrl.u32 s24, $0x3  }
0x1cb: {  	[hbm:s10], [sflag:s9] =	dma.local [spmem:s24], $0x900  }
0x1cc: {  	s24 =	rddreg [dreg:$0xd]  }
0x1cd: {  	s9 =	sor.u32 $0x1C02, s8;
	s10 =	rddreg [dreg:$0x14];
	s24 =	sshrl.u32 s24, $0x3  }
0x1ce: {  	[hbm:s10], [sflag:s9] =	dma.local [spmem:s24], $0x900  }
0x1cf: {  	s9 =	sor.u32 $0x1C03, s8  }
0x1d0: {  	s10 =	smov.u32 s12;
	s24 =	sshrl.u32 s12, $0x3;
	s12 =	rddreg [dreg:$0x15]  }
0x1d1: {  	[hbm:s12], [sflag:s9] =	dma.local [spmem:s24], $0x900  }
0x1d2: {  	s12 =	rddreg [dreg:$0x13]  }
0x1d3: {  	s9 =	sor.u32 $0x1C04, s8;
	s24 =	sshrl.u32 s12, $0x3;
	s12 =	rddreg [dreg:$0x16]  }
0x1d4: {  	[hbm:s12], [sflag:s9] =	dma.local [spmem:s24], $0x900  }
0x1d5: {  	s8 =	sor.u32 $0x1C05, s8;
	s24 =	sshrl.u32 s13, $0x3;
	s12 =	rddreg [dreg:$0x17]  }
0x1d6: {  	[hbm:s12], [sflag:s8] =	dma.local [spmem:s24], $0x900  }
0x1d7: {  	_ =	swait.ge [sflag:s4], $0x900  }
0x1d8: {  	[sflag:s4] =	ssyncset.done $0x0  }
0x1d9: {  	[sflag:s4] =	ssyncadd.s32 $0xFFFFF700  }
0x1da: {  	_ =	swait.ge [sflag:s19], $0x900  }
0x1db: {  	[sflag:s19] =	ssyncset.done $0x0  }
0x1dc: {  	[sflag:s19] =	ssyncadd.s32 $0xFFFFF700  }
0x1dd: {  	_ =	swait.ge [sflag:s25], $0x900  }
0x1de: {  	[sflag:s25] =	ssyncset.done $0x0  }
0x1df: {  	[sflag:s25] =	ssyncadd.s32 $0xFFFFF700  }
0x1e0: {  	_ =	swait.ge [sflag:s26], $0x900  }
0x1e1: {  	[sflag:s26] =	ssyncset.done $0x0  }
0x1e2: {  	[sflag:s26] =	ssyncadd.s32 $0xFFFFF700  }
0x1e3: {  	_ =	swait.ge [sflag:s28], $0x900  }
0x1e4: {  	s23 =	sadd.s32 $0x1, s23;
	s24 =	rddreg [dreg:$0x11]  }
0x1e5: {  	p0 =	sne.s32 s23, s24  }
.Ltmp2:
0x1e6: {  	_ = 	snop;
	(pc) =	sbr.rel @p0 .LBB2_1-.Ltmp2, $3  }
0x1e7: {  	_ =	sdelay $0x1  }
0x1e8: {  	[sflag:s28] =	ssyncset.done $0x0  }
0x1e9: {  	[sflag:s28] =	ssyncadd.s32 $0xFFFFF700  }
0x1ea: {  	_ =	sfence.sel $0x180000  }
0x1eb: {  	[bflag:$0x0] =	sbarrier.arrive $0xFFFF  }
0x1ec: {  	_ =	strace $0x90000047  }
0x1ed: {  	s0 =	stileid.u32;
	[bflag:$0x2] =	sbarrier.arrive $0xFFFF  }
0x1ee: {  	p0 =	sne.s32 s0, $0x0;
	s0 =	rddreg [dreg:$0x3]  }
0x1ef: {  	s0 =	sadd.s32 @!p0 $0x100000, s0  }
0x1f0: {  	[sflag:s0] =	ssyncadd.tile.s32 @!p0 $0x1;
	_ =	shalt  }
.Lfunc_end2:
_tile_overlayer_lowered:
.L_overlay_start_2:
0x1f1: {  	(tag) =	ssettag $0x2  }
0x1f2: {  	s0 =	rddreg [dreg:$0x0];
	s2 =	stileid.u32  }
0x1f3: {  	s1 =	rddreg [dreg:$0x1];
	p0 =	sne.s32 s2, $0x0  }
0x1f4: {  	s3 =	rddreg [dreg:$0x2];
	[bflag:$0x3] =	sbarrier.arrive $0xFFFF;
	s2 =	simm.s32 @!p0 $0x1C01  }
0x1f5: {  	[timem:s3], [sflag:s2] =	dma.local @!p0 [hbm:s0], s1  }
0x1f6: {  	s0 =	simm.s32 @!p0 $0x1  }
0x1f7: {  	_ =	swait.ge @!p0 [sflag:s0], s1  }
0x1f8: {  	s1 =	ssub.s32 @!p0 $0x0, s1;
	[sflag:s0] =	ssyncset.done @!p0 $0x0  }
0x1f9: {  	[sflag:s0] =	ssyncadd.s32 @!p0 s1  }
0x1fa: {  	[bflag:$0x3] =	sbarrier.arrive $0xFFFF  }
0x1fb: {  	_ =	shalt  }

</sc_bundles>
